<compile_context>
chip_gen: v7x
topology: tpu7x:2x2x1
jax: 0.10.2.dev20260603
libtpu: 0.0.44.dev20260713+nightly
codegen_flags: <defaults>
</compile_context>

<pallas_src>
import functools

import jax
import jax.numpy as jnp
from jax import lax
from jax.experimental import pallas as pl
from jax.experimental.pallas import tpu as pltpu
from jax.experimental.pallas import tpu_sc as plsc

B, L, V, D, H, C = 4096, 50, 1000000, 64, 256, 10

CP = 16
PK = 8

NC, NS = 2, 16
NW = NC * NS
BAGS_PER_W = B // NW
BAGS_PER_STEP = 2
IDX_PER_STEP = BAGS_PER_STEP * L
STEPS = BAGS_PER_W // BAGS_PER_STEP

_PRJ_BLK = 32768


_PRJ_Q = _PRJ_BLK // PK
_PRJ_GRID = (V + _PRJ_BLK - 1) // _PRJ_BLK
PKV = _PRJ_GRID * _PRJ_Q


def _prj_body(*refs):
    tt_refs, w1_ref, w2_ref, out_ref = refs[:PK], refs[PK], refs[PK + 1], \
        refs[PK + 2]
    m = lax.dot_general(w2_ref[...], w1_ref[...],
                        (((1,), (0,)), ((), ())),
                        preferred_element_type=jnp.float32)
    mt = jnp.pad(m, ((0, CP - C), (0, 0))).T
    lhs = jnp.concatenate([r[...] for r in tt_refs], axis=0)
    rblk = jnp.concatenate(
        [jnp.pad(mt, ((j * D, (PK - 1 - j) * D), (0, 0)))
         for j in range(PK)], axis=1)
    out_ref[...] = lax.dot_general(lhs, rblk,
                                   (((0,), (0,)), ((), ())),
                                   preferred_element_type=jnp.float32)


def _tc_project(tableT, W1, W2):
    last_blk = (V + _PRJ_Q - 1) // _PRJ_Q - 1

    def make_spec(j):
        return pl.BlockSpec(
            (D, _PRJ_Q),
            lambda i, j=j: (0, jnp.minimum(PK * i + j, last_blk)))

    return pl.pallas_call(
        _prj_body,
        out_shape=jax.ShapeDtypeStruct((PKV, PK * CP), jnp.float32),
        grid=(_PRJ_GRID,),
        in_specs=[make_spec(j) for j in range(PK)] + [
            pl.BlockSpec((H, D), lambda i: (0, 0)),
            pl.BlockSpec((C, H), lambda i: (0, 0)),
        ],
        out_specs=pl.BlockSpec((_PRJ_Q, PK * CP), lambda i: (i, 0)),
        compiler_params=pltpu.CompilerParams(
            fuse_transposed_lhs_in_matmul=True),
    )(*([tableT] * PK), W1, W2)


def _sc_gather_mean(idx_q, pk2):

    mesh = plsc.VectorSubcoreMesh(core_axis_name="c", subcore_axis_name="s")

    @functools.partial(
        pl.kernel,
        out_type=jax.ShapeDtypeStruct((B, CP), jnp.float32),
        mesh=mesh,
        scratch_types=[
            pltpu.VMEM((STEPS, IDX_PER_STEP), jnp.int32),
            pltpu.VMEM((IDX_PER_STEP, CP), jnp.float32),
            pltpu.VMEM((IDX_PER_STEP, CP), jnp.float32),
            pltpu.VMEM((BAGS_PER_W, CP), jnp.float32),
            pltpu.SemaphoreType.DMA,
            pltpu.SemaphoreType.DMA,
        ],
        compiler_params=pltpu.CompilerParams(
            needs_layout_passes=False, use_tc_tiling_on_sc=False),
    )
    def k(pk_hbm, x_hbm, out_hbm, idx_v, rows_a, rows_b,
          acc_v, sem_a, sem_b):
        wid = lax.axis_index("s") * NC + lax.axis_index("c")
        pltpu.sync_copy(x_hbm.at[pl.ds(wid * STEPS, STEPS)], idx_v)

        def fire(g, buf, sem):
            pltpu.async_copy(pk_hbm.at[idx_v.at[g]], buf, sem)

        def wait(g, buf, sem):
            pltpu.make_async_copy(pk_hbm.at[idx_v.at[g]], buf, sem).wait()

        def accum(g, buf):
            for b in range(BAGS_PER_STEP):
                acc = jnp.zeros((16,), jnp.float32)
                for l in range(L):
                    acc = acc + buf[b * L + l, :]
                acc_v[g * BAGS_PER_STEP + b, :] = acc * (1.0 / L)

        fire(0, rows_a, sem_a)

        def step2(g2, carry):
            g = g2 * 2
            fire(g + 1, rows_b, sem_b)
            wait(g, rows_a, sem_a)
            accum(g, rows_a)

            @pl.when(g2 < STEPS // 2 - 1)
            def _():
                fire(g + 2, rows_a, sem_a)

            wait(g + 1, rows_b, sem_b)
            accum(g + 1, rows_b)
            return carry

        lax.fori_loop(0, STEPS // 2, step2, 0)
        pltpu.sync_copy(acc_v, out_hbm.at[pl.ds(wid * BAGS_PER_W, BAGS_PER_W)])

    return k(pk2, idx_q)


_SM_BLK = 1024


def _sm_body(s_ref, w2_ref, b1_ref, b2_ref, out_ref):
    c = lax.dot_general(b1_ref[...], w2_ref[...],
                        (((1,), (1,)), ((), ())),
                        preferred_element_type=jnp.float32) + b2_ref[...]
    o = s_ref[...][:, :C] + c
    m = jnp.max(o, axis=-1, keepdims=True)
    e = jnp.exp(o - m)
    out_ref[...] = e / jnp.sum(e, axis=-1, keepdims=True)


def _tc_softmax(sums, W2, b1, b2):
    return pl.pallas_call(
        _sm_body,
        out_shape=jax.ShapeDtypeStruct((B, C), jnp.float32),
        grid=(B // _SM_BLK,),
        in_specs=[
            pl.BlockSpec((_SM_BLK, CP), lambda i: (i, 0)),
            pl.BlockSpec((C, H), lambda i: (0, 0)),
            pl.BlockSpec((1, H), lambda i: (0, 0)),
            pl.BlockSpec((1, C), lambda i: (0, 0)),
        ],
        out_specs=pl.BlockSpec((_SM_BLK, C), lambda i: (i, 0)),
    )(sums, W2, b1, b2)


def kernel(x, table, W1, b1, W2, b2):
    xi = x.astype(jnp.int32)
    rows = ((xi >> 15) * _PRJ_Q) | (xi & (_PRJ_Q - 1))
    grp = (xi >> 12) & (PK - 1)
    idx_q = ((rows * PK) | grp).reshape(-1, IDX_PER_STEP)
    pk = _tc_project(table.T, W1, W2)
    sums = _sc_gather_mean(idx_q, pk.reshape(PKV * PK, CP))
    return _tc_softmax(sums, W2, b1.reshape(1, H), b2.reshape(1, C))

# --- scband reference (transcript-rebuilt; emitter-appended) ---
"""Pipeline reference for scband-text-classifier-90134183674665 (READ-ONLY COPY).

The authoritative reference and input builder live on the scoring server;
editing this copy changes nothing except your own understanding.
"""

import jax, jax.numpy as jnp
import numpy as np

B, L, V, D, H, C = 4096, 50, 1000000, 64, 256, 10

def setup_inputs(seed: int = 0) -> dict:
    key = jax.random.key(seed)
    k1, k2, k3, k4 = jax.random.split(key, 4)
    x = jax.random.randint(k1, (B, L), 0, V)
    table = jax.random.normal(k2, (V, D), dtype=jnp.float32) * 0.02
    W1 = jax.random.normal(k3, (H, D), dtype=jnp.float32) * 0.02
    b1 = jnp.zeros((H,), dtype=jnp.float32)
    W2 = jax.random.normal(k4, (C, H), dtype=jnp.float32) * 0.02
    b2 = jnp.zeros((C,), dtype=jnp.float32)
    return {"x": x, "table": table, "W1": W1, "b1": b1, "W2": W2, "b2": b2}

def reference(x, table, W1, b1, W2, b2):
    # nn.EmbeddingBag with 2D input and default mode='mean': per-row mean of embeddings
    emb = jnp.take(table, x, axis=0)          # [B, L, D] gather
    bag = jnp.mean(emb, axis=1)               # [B, D] mean-pool per bag
    h = bag @ W1.T + b1                        # fc1
    o = h @ W2.T + b2                          # fc2
    return jax.nn.softmax(o, axis=-1)          # softmax over classes

if __name__ == "__main__":
    import jax
    _d = setup_inputs()
    print(jax.jit(kernel)(*tuple(_d.values())))

</pallas_src>

<mosaic_0001>
#map = affine_map<(d0, d1) -> (0, 0)>
module attributes {stable_mosaic.version = 14 : i64} {
  func.func @k(%arg0: i32, %arg1: i32, %arg2: memref<1015808x16xf32, #tpu.memory_space<hbm>>, %arg3: memref<2048x100xi32, #tpu.memory_space<hbm>>, %arg4: memref<4096x16xf32, #tpu.memory_space<hbm>>, %arg5: memref<64x100xi32, #tpu.memory_space<vmem>>, %arg6: memref<100x16xf32, #tpu.memory_space<vmem>>, %arg7: memref<100x16xf32, #tpu.memory_space<vmem>>, %arg8: memref<128x16xf32, #tpu.memory_space<vmem>>, %arg9: memref<!tpu.dma_semaphore, #tpu.memory_space<semaphore_mem>>, %arg10: memref<!tpu.dma_semaphore, #tpu.memory_space<semaphore_mem>>) attributes {dimension_semantics = [#tpu.dimension_semantics<core_parallel>, #tpu.dimension_semantics<subcore_parallel>], iteration_bounds = array<i64: 2, 16>, scalar_prefetch = 0 : i64, scratch_operands = 6 : i64, tpu.core_type = #tpu.core_type<sc_vector_subcore>, window_params = [{transform_indices = #map}, {transform_indices = #map}, {transform_indices = #map}]} {
    %mul3A = arith.constant 2 : i32
    %mul3A_0 = arith.muli %arg1, %mul3A : i32
    %add3A = arith.addi %mul3A_0, %arg0 : i32
    %mul3A_1 = arith.constant 64 : i32
    %mul3A_2 = arith.muli %add3A, %mul3A_1 : i32
    "tpu.region"() ({
      %run_scoped3A = tpu.sem_alloc : memref<!tpu.dma_semaphore, #tpu.memory_space<semaphore_mem>>
      %dma_start3A_16 = arith.constant 0 : i32
      %dma_start3A_17 = tpu.memref_slice %arg3[%mul3A_2, %dma_start3A_16] : memref<2048x100xi32, #tpu.memory_space<hbm>> -> memref<64x100xi32, #tpu.memory_space<hbm>>
      %dma_start3A_18 = arith.constant 0 : i32
      %dma_start3A_19 = tpu.memref_slice %arg3[%mul3A_2, %dma_start3A_18] : memref<2048x100xi32, #tpu.memory_space<hbm>> -> memref<64x100xi32, #tpu.memory_space<hbm>>
      tpu.enqueue_dma source(%dma_start3A_19 : memref<64x100xi32, #tpu.memory_space<hbm>>) target(%arg5 : memref<64x100xi32, #tpu.memory_space<vmem>>) target_semaphore(%run_scoped3A : memref<!tpu.dma_semaphore, #tpu.memory_space<semaphore_mem>>)
      %dma_wait3A = arith.constant 0 : i32
      %dma_wait3A_20 = tpu.memref_slice %arg3[%mul3A_2, %dma_wait3A] : memref<2048x100xi32, #tpu.memory_space<hbm>> -> memref<64x100xi32, #tpu.memory_space<hbm>>
      %dma_wait3A_21 = arith.constant 0 : i32
      %dma_wait3A_22 = tpu.memref_slice %arg3[%mul3A_2, %dma_wait3A_21] : memref<2048x100xi32, #tpu.memory_space<hbm>> -> memref<64x100xi32, #tpu.memory_space<hbm>>
      tpu.wait_dma2 semaphore(%run_scoped3A : memref<!tpu.dma_semaphore, #tpu.memory_space<semaphore_mem>>) src(%dma_wait3A_22 : memref<64x100xi32, #tpu.memory_space<hbm>>) dst(%arg5 : memref<64x100xi32, #tpu.memory_space<vmem>>)
      tpu.yield
    }) : () -> ()
    %dma_start3A = arith.constant 0 : i32
    %dma_start3A_3 = arith.constant 0 : i32
    %dma_start3A_4 = tpu.memref_slice %arg5[%dma_start3A, %dma_start3A_3] : memref<64x100xi32, #tpu.memory_space<vmem>> -> memref<1x100xi32, #tpu.memory_space<vmem>>
    %dma_start3A_5 = tpu.memref_squeeze %dma_start3A_4 : memref<1x100xi32, #tpu.memory_space<vmem>> -> memref<100xi32, #tpu.memory_space<vmem>>
    %dma_start3A_6 = arith.constant 0 : i32
    %dma_start3A_7 = arith.constant 0 : i32
    %dma_start3A_8 = tpu.memref_slice %arg2[%dma_start3A_6, %dma_start3A_7] : memref<1015808x16xf32, #tpu.memory_space<hbm>> -> memref<1015808x16xf32, #tpu.memory_space<hbm>>
    tpu.enqueue_indirect_dma source(%dma_start3A_8 : memref<1015808x16xf32, #tpu.memory_space<hbm>>) target(%arg6 : memref<100x16xf32, #tpu.memory_space<vmem>>) offsets(%dma_start3A_5 : memref<100xi32, #tpu.memory_space<vmem>>) semaphore(%arg9 : memref<!tpu.dma_semaphore, #tpu.memory_space<semaphore_mem>>)
    %scan3A = arith.constant 0 : i32
    %scan3A_9 = arith.constant 0 : i32
    %scan3A_10 = arith.constant 32 : i32
    %scan3A_11 = arith.addi %scan3A_9, %scan3A_10 : i32
    %scan3A_12 = arith.constant 1 : i32
    scf.for %scan3A_16 = %scan3A_9 to %scan3A_11 step %scan3A_12  : i32 {
      %mul3A_17 = arith.constant 2 : i32
      %mul3A_18 = arith.muli %scan3A_16, %mul3A_17 : i32
      %add3A_19 = arith.constant 1 : i32
      %add3A_20 = arith.addi %mul3A_18, %add3A_19 : i32
      %dma_start3A_21 = arith.constant 0 : i32
      %dma_start3A_22 = tpu.memref_slice %arg5[%add3A_20, %dma_start3A_21] : memref<64x100xi32, #tpu.memory_space<vmem>> -> memref<1x100xi32, #tpu.memory_space<vmem>>
      %dma_start3A_23 = tpu.memref_squeeze %dma_start3A_22 : memref<1x100xi32, #tpu.memory_space<vmem>> -> memref<100xi32, #tpu.memory_space<vmem>>
      %dma_start3A_24 = arith.constant 0 : i32
      %dma_start3A_25 = arith.constant 0 : i32
      %dma_start3A_26 = tpu.memref_slice %arg2[%dma_start3A_24, %dma_start3A_25] : memref<1015808x16xf32, #tpu.memory_space<hbm>> -> memref<1015808x16xf32, #tpu.memory_space<hbm>>
      tpu.enqueue_indirect_dma source(%dma_start3A_26 : memref<1015808x16xf32, #tpu.memory_space<hbm>>) target(%arg7 : memref<100x16xf32, #tpu.memory_space<vmem>>) offsets(%dma_start3A_23 : memref<100xi32, #tpu.memory_space<vmem>>) semaphore(%arg10 : memref<!tpu.dma_semaphore, #tpu.memory_space<semaphore_mem>>)
      %dma_wait3A = arith.constant 0 : i32
      %dma_wait3A_27 = tpu.memref_slice %arg5[%mul3A_18, %dma_wait3A] : memref<64x100xi32, #tpu.memory_space<vmem>> -> memref<1x100xi32, #tpu.memory_space<vmem>>
      %dma_wait3A_28 = tpu.memref_squeeze %dma_wait3A_27 : memref<1x100xi32, #tpu.memory_space<vmem>> -> memref<100xi32, #tpu.memory_space<vmem>>
      %dma_wait3A_29 = arith.constant 0 : i32
      %dma_wait3A_30 = arith.constant 0 : i32
      %dma_wait3A_31 = tpu.memref_slice %arg2[%dma_wait3A_29, %dma_wait3A_30] : memref<1015808x16xf32, #tpu.memory_space<hbm>> -> memref<1015808x16xf32, #tpu.memory_space<hbm>>
      tpu.wait_indirect_dma semaphore(%arg9 : memref<!tpu.dma_semaphore, #tpu.memory_space<semaphore_mem>>) src(%dma_wait3A_31 : memref<1015808x16xf32, #tpu.memory_space<hbm>>) dst(%arg6 : memref<100x16xf32, #tpu.memory_space<vmem>>)
      %broadcast_in_dim3A = arith.constant 0.000000e+00 : f32
      %broadcast_in_dim3A_32 = vector.broadcast %broadcast_in_dim3A : f32 to vector<16xf32>
      %get3A = arith.constant 0 : i32
      %get3A_33 = arith.index_cast %get3A : i32 to index
      %get3A_34 = arith.constant 0 : index
      %get3A_35 = tpu.vector_load %arg6[%get3A_33, %get3A_34] {strides = array<i32>} : memref<100x16xf32, #tpu.memory_space<vmem>>, vector<16xf32>,
      %add3A_36 = arith.addf %broadcast_in_dim3A_32, %get3A_35 : vector<16xf32>
      %get3A_37 = arith.constant 1 : i32
      %get3A_38 = arith.index_cast %get3A_37 : i32 to index
      %get3A_39 = arith.constant 0 : index
      %get3A_40 = tpu.vector_load %arg6[%get3A_38, %get3A_39] {strides = array<i32>} : memref<100x16xf32, #tpu.memory_space<vmem>>, vector<16xf32>,
      %add3A_41 = arith.addf %add3A_36, %get3A_40 : vector<16xf32>
      %get3A_42 = arith.constant 2 : i32
      %get3A_43 = arith.index_cast %get3A_42 : i32 to index
      %get3A_44 = arith.constant 0 : index
      %get3A_45 = tpu.vector_load %arg6[%get3A_43, %get3A_44] {strides = array<i32>} : memref<100x16xf32, #tpu.memory_space<vmem>>, vector<16xf32>,
      %add3A_46 = arith.addf %add3A_41, %get3A_45 : vector<16xf32>
      %get3A_47 = arith.constant 3 : i32
      %get3A_48 = arith.index_cast %get3A_47 : i32 to index
      %get3A_49 = arith.constant 0 : index
      %get3A_50 = tpu.vector_load %arg6[%get3A_48, %get3A_49] {strides = array<i32>} : memref<100x16xf32, #tpu.memory_space<vmem>>, vector<16xf32>,
      %add3A_51 = arith.addf %add3A_46, %get3A_50 : vector<16xf32>
      %get3A_52 = arith.constant 4 : i32
      %get3A_53 = arith.index_cast %get3A_52 : i32 to index
      %get3A_54 = arith.constant 0 : index
      %get3A_55 = tpu.vector_load %arg6[%get3A_53, %get3A_54] {strides = array<i32>} : memref<100x16xf32, #tpu.memory_space<vmem>>, vector<16xf32>,
      %add3A_56 = arith.addf %add3A_51, %get3A_55 : vector<16xf32>
      %get3A_57 = arith.constant 5 : i32
      %get3A_58 = arith.index_cast %get3A_57 : i32 to index
      %get3A_59 = arith.constant 0 : index
      %get3A_60 = tpu.vector_load %arg6[%get3A_58, %get3A_59] {strides = array<i32>} : memref<100x16xf32, #tpu.memory_space<vmem>>, vector<16xf32>,
      %add3A_61 = arith.addf %add3A_56, %get3A_60 : vector<16xf32>
      %get3A_62 = arith.constant 6 : i32
      %get3A_63 = arith.index_cast %get3A_62 : i32 to index
      %get3A_64 = arith.constant 0 : index
      %get3A_65 = tpu.vector_load %arg6[%get3A_63, %get3A_64] {strides = array<i32>} : memref<100x16xf32, #tpu.memory_space<vmem>>, vector<16xf32>,
      %add3A_66 = arith.addf %add3A_61, %get3A_65 : vector<16xf32>
      %get3A_67 = arith.constant 7 : i32
      %get3A_68 = arith.index_cast %get3A_67 : i32 to index
      %get3A_69 = arith.constant 0 : index
      %get3A_70 = tpu.vector_load %arg6[%get3A_68, %get3A_69] {strides = array<i32>} : memref<100x16xf32, #tpu.memory_space<vmem>>, vector<16xf32>,
      %add3A_71 = arith.addf %add3A_66, %get3A_70 : vector<16xf32>
      %get3A_72 = arith.constant 8 : i32
      %get3A_73 = arith.index_cast %get3A_72 : i32 to index
      %get3A_74 = arith.constant 0 : index
      %get3A_75 = tpu.vector_load %arg6[%get3A_73, %get3A_74] {strides = array<i32>} : memref<100x16xf32, #tpu.memory_space<vmem>>, vector<16xf32>,
      %add3A_76 = arith.addf %add3A_71, %get3A_75 : vector<16xf32>
      %get3A_77 = arith.constant 9 : i32
      %get3A_78 = arith.index_cast %get3A_77 : i32 to index
      %get3A_79 = arith.constant 0 : index
      %get3A_80 = tpu.vector_load %arg6[%get3A_78, %get3A_79] {strides = array<i32>} : memref<100x16xf32, #tpu.memory_space<vmem>>, vector<16xf32>,
      %add3A_81 = arith.addf %add3A_76, %get3A_80 : vector<16xf32>
      %get3A_82 = arith.constant 10 : i32
      %get3A_83 = arith.index_cast %get3A_82 : i32 to index
      %get3A_84 = arith.constant 0 : index
      %get3A_85 = tpu.vector_load %arg6[%get3A_83, %get3A_84] {strides = array<i32>} : memref<100x16xf32, #tpu.memory_space<vmem>>, vector<16xf32>,
      %add3A_86 = arith.addf %add3A_81, %get3A_85 : vector<16xf32>
      %get3A_87 = arith.constant 11 : i32
      %get3A_88 = arith.index_cast %get3A_87 : i32 to index
      %get3A_89 = arith.constant 0 : index
      %get3A_90 = tpu.vector_load %arg6[%get3A_88, %get3A_89] {strides = array<i32>} : memref<100x16xf32, #tpu.memory_space<vmem>>, vector<16xf32>,
      %add3A_91 = arith.addf %add3A_86, %get3A_90 : vector<16xf32>
      %get3A_92 = arith.constant 12 : i32
      %get3A_93 = arith.index_cast %get3A_92 : i32 to index
      %get3A_94 = arith.constant 0 : index
      %get3A_95 = tpu.vector_load %arg6[%get3A_93, %get3A_94] {strides = array<i32>} : memref<100x16xf32, #tpu.memory_space<vmem>>, vector<16xf32>,
      %add3A_96 = arith.addf %add3A_91, %get3A_95 : vector<16xf32>
      %get3A_97 = arith.constant 13 : i32
      %get3A_98 = arith.index_cast %get3A_97 : i32 to index
      %get3A_99 = arith.constant 0 : index
      %get3A_100 = tpu.vector_load %arg6[%get3A_98, %get3A_99] {strides = array<i32>} : memref<100x16xf32, #tpu.memory_space<vmem>>, vector<16xf32>,
      %add3A_101 = arith.addf %add3A_96, %get3A_100 : vector<16xf32>
      %get3A_102 = arith.constant 14 : i32
      %get3A_103 = arith.index_cast %get3A_102 : i32 to index
      %get3A_104 = arith.constant 0 : index
      %get3A_105 = tpu.vector_load %arg6[%get3A_103, %get3A_104] {strides = array<i32>} : memref<100x16xf32, #tpu.memory_space<vmem>>, vector<16xf32>,
      %add3A_106 = arith.addf %add3A_101, %get3A_105 : vector<16xf32>
      %get3A_107 = arith.constant 15 : i32
      %get3A_108 = arith.index_cast %get3A_107 : i32 to index
      %get3A_109 = arith.constant 0 : index
      %get3A_110 = tpu.vector_load %arg6[%get3A_108, %get3A_109] {strides = array<i32>} : memref<100x16xf32, #tpu.memory_space<vmem>>, vector<16xf32>,
      %add3A_111 = arith.addf %add3A_106, %get3A_110 : vector<16xf32>
      %get3A_112 = arith.constant 16 : i32
      %get3A_113 = arith.index_cast %get3A_112 : i32 to index
      %get3A_114 = arith.constant 0 : index
      %get3A_115 = tpu.vector_load %arg6[%get3A_113, %get3A_114] {strides = array<i32>} : memref<100x16xf32, #tpu.memory_space<vmem>>, vector<16xf32>,
      %add3A_116 = arith.addf %add3A_111, %get3A_115 : vector<16xf32>
      %get3A_117 = arith.constant 17 : i32
      %get3A_118 = arith.index_cast %get3A_117 : i32 to index
      %get3A_119 = arith.constant 0 : index
      %get3A_120 = tpu.vector_load %arg6[%get3A_118, %get3A_119] {strides = array<i32>} : memref<100x16xf32, #tpu.memory_space<vmem>>, vector<16xf32>,
      %add3A_121 = arith.addf %add3A_116, %get3A_120 : vector<16xf32>
      %get3A_122 = arith.constant 18 : i32
      %get3A_123 = arith.index_cast %get3A_122 : i32 to index
      %get3A_124 = arith.constant 0 : index
      %get3A_125 = tpu.vector_load %arg6[%get3A_123, %get3A_124] {strides = array<i32>} : memref<100x16xf32, #tpu.memory_space<vmem>>, vector<16xf32>,
      %add3A_126 = arith.addf %add3A_121, %get3A_125 : vector<16xf32>
      %get3A_127 = arith.constant 19 : i32
      %get3A_128 = arith.index_cast %get3A_127 : i32 to index
      %get3A_129 = arith.constant 0 : index
      %get3A_130 = tpu.vector_load %arg6[%get3A_128, %get3A_129] {strides = array<i32>} : memref<100x16xf32, #tpu.memory_space<vmem>>, vector<16xf32>,
      %add3A_131 = arith.addf %add3A_126, %get3A_130 : vector<16xf32>
      %get3A_132 = arith.constant 20 : i32
      %get3A_133 = arith.index_cast %get3A_132 : i32 to index
      %get3A_134 = arith.constant 0 : index
      %get3A_135 = tpu.vector_load %arg6[%get3A_133, %get3A_134] {strides = array<i32>} : memref<100x16xf32, #tpu.memory_space<vmem>>, vector<16xf32>,
      %add3A_136 = arith.addf %add3A_131, %get3A_135 : vector<16xf32>
      %get3A_137 = arith.constant 21 : i32
      %get3A_138 = arith.index_cast %get3A_137 : i32 to index
      %get3A_139 = arith.constant 0 : index
      %get3A_140 = tpu.vector_load %arg6[%get3A_138, %get3A_139] {strides = array<i32>} : memref<100x16xf32, #tpu.memory_space<vmem>>, vector<16xf32>,
      %add3A_141 = arith.addf %add3A_136, %get3A_140 : vector<16xf32>
      %get3A_142 = arith.constant 22 : i32
      %get3A_143 = arith.index_cast %get3A_142 : i32 to index
      %get3A_144 = arith.constant 0 : index
      %get3A_145 = tpu.vector_load %arg6[%get3A_143, %get3A_144] {strides = array<i32>} : memref<100x16xf32, #tpu.memory_space<vmem>>, vector<16xf32>,
      %add3A_146 = arith.addf %add3A_141, %get3A_145 : vector<16xf32>
      %get3A_147 = arith.constant 23 : i32
      %get3A_148 = arith.index_cast %get3A_147 : i32 to index
      %get3A_149 = arith.constant 0 : index
      %get3A_150 = tpu.vector_load %arg6[%get3A_148, %get3A_149] {strides = array<i32>} : memref<100x16xf32, #tpu.memory_space<vmem>>, vector<16xf32>,
      %add3A_151 = arith.addf %add3A_146, %get3A_150 : vector<16xf32>
      %get3A_152 = arith.constant 24 : i32
      %get3A_153 = arith.index_cast %get3A_152 : i32 to index
      %get3A_154 = arith.constant 0 : index
      %get3A_155 = tpu.vector_load %arg6[%get3A_153, %get3A_154] {strides = array<i32>} : memref<100x16xf32, #tpu.memory_space<vmem>>, vector<16xf32>,
      %add3A_156 = arith.addf %add3A_151, %get3A_155 : vector<16xf32>
      %get3A_157 = arith.constant 25 : i32
      %get3A_158 = arith.index_cast %get3A_157 : i32 to index
      %get3A_159 = arith.constant 0 : index
      %get3A_160 = tpu.vector_load %arg6[%get3A_158, %get3A_159] {strides = array<i32>} : memref<100x16xf32, #tpu.memory_space<vmem>>, vector<16xf32>,
      %add3A_161 = arith.addf %add3A_156, %get3A_160 : vector<16xf32>
      %get3A_162 = arith.constant 26 : i32
      %get3A_163 = arith.index_cast %get3A_162 : i32 to index
      %get3A_164 = arith.constant 0 : index
      %get3A_165 = tpu.vector_load %arg6[%get3A_163, %get3A_164] {strides = array<i32>} : memref<100x16xf32, #tpu.memory_space<vmem>>, vector<16xf32>,
      %add3A_166 = arith.addf %add3A_161, %get3A_165 : vector<16xf32>
      %get3A_167 = arith.constant 27 : i32
      %get3A_168 = arith.index_cast %get3A_167 : i32 to index
      %get3A_169 = arith.constant 0 : index
      %get3A_170 = tpu.vector_load %arg6[%get3A_168, %get3A_169] {strides = array<i32>} : memref<100x16xf32, #tpu.memory_space<vmem>>, vector<16xf32>,
      %add3A_171 = arith.addf %add3A_166, %get3A_170 : vector<16xf32>
      %get3A_172 = arith.constant 28 : i32
      %get3A_173 = arith.index_cast %get3A_172 : i32 to index
      %get3A_174 = arith.constant 0 : index
      %get3A_175 = tpu.vector_load %arg6[%get3A_173, %get3A_174] {strides = array<i32>} : memref<100x16xf32, #tpu.memory_space<vmem>>, vector<16xf32>,
      %add3A_176 = arith.addf %add3A_171, %get3A_175 : vector<16xf32>
      %get3A_177 = arith.constant 29 : i32
      %get3A_178 = arith.index_cast %get3A_177 : i32 to index
      %get3A_179 = arith.constant 0 : index
      %get3A_180 = tpu.vector_load %arg6[%get3A_178, %get3A_179] {strides = array<i32>} : memref<100x16xf32, #tpu.memory_space<vmem>>, vector<16xf32>,
      %add3A_181 = arith.addf %add3A_176, %get3A_180 : vector<16xf32>
      %get3A_182 = arith.constant 30 : i32
      %get3A_183 = arith.index_cast %get3A_182 : i32 to index
      %get3A_184 = arith.constant 0 : index
      %get3A_185 = tpu.vector_load %arg6[%get3A_183, %get3A_184] {strides = array<i32>} : memref<100x16xf32, #tpu.memory_space<vmem>>, vector<16xf32>,
      %add3A_186 = arith.addf %add3A_181, %get3A_185 : vector<16xf32>
      %get3A_187 = arith.constant 31 : i32
      %get3A_188 = arith.index_cast %get3A_187 : i32 to index
      %get3A_189 = arith.constant 0 : index
      %get3A_190 = tpu.vector_load %arg6[%get3A_188, %get3A_189] {strides = array<i32>} : memref<100x16xf32, #tpu.memory_space<vmem>>, vector<16xf32>,
      %add3A_191 = arith.addf %add3A_186, %get3A_190 : vector<16xf32>
      %get3A_192 = arith.constant 32 : i32
      %get3A_193 = arith.index_cast %get3A_192 : i32 to index
      %get3A_194 = arith.constant 0 : index
      %get3A_195 = tpu.vector_load %arg6[%get3A_193, %get3A_194] {strides = array<i32>} : memref<100x16xf32, #tpu.memory_space<vmem>>, vector<16xf32>,
      %add3A_196 = arith.addf %add3A_191, %get3A_195 : vector<16xf32>
      %get3A_197 = arith.constant 33 : i32
      %get3A_198 = arith.index_cast %get3A_197 : i32 to index
      %get3A_199 = arith.constant 0 : index
      %get3A_200 = tpu.vector_load %arg6[%get3A_198, %get3A_199] {strides = array<i32>} : memref<100x16xf32, #tpu.memory_space<vmem>>, vector<16xf32>,
      %add3A_201 = arith.addf %add3A_196, %get3A_200 : vector<16xf32>
      %get3A_202 = arith.constant 34 : i32
      %get3A_203 = arith.index_cast %get3A_202 : i32 to index
      %get3A_204 = arith.constant 0 : index
      %get3A_205 = tpu.vector_load %arg6[%get3A_203, %get3A_204] {strides = array<i32>} : memref<100x16xf32, #tpu.memory_space<vmem>>, vector<16xf32>,
      %add3A_206 = arith.addf %add3A_201, %get3A_205 : vector<16xf32>
      %get3A_207 = arith.constant 35 : i32
      %get3A_208 = arith.index_cast %get3A_207 : i32 to index
      %get3A_209 = arith.constant 0 : index
      %get3A_210 = tpu.vector_load %arg6[%get3A_208, %get3A_209] {strides = array<i32>} : memref<100x16xf32, #tpu.memory_space<vmem>>, vector<16xf32>,
      %add3A_211 = arith.addf %add3A_206, %get3A_210 : vector<16xf32>
      %get3A_212 = arith.constant 36 : i32
      %get3A_213 = arith.index_cast %get3A_212 : i32 to index
      %get3A_214 = arith.constant 0 : index
      %get3A_215 = tpu.vector_load %arg6[%get3A_213, %get3A_214] {strides = array<i32>} : memref<100x16xf32, #tpu.memory_space<vmem>>, vector<16xf32>,
      %add3A_216 = arith.addf %add3A_211, %get3A_215 : vector<16xf32>
      %get3A_217 = arith.constant 37 : i32
      %get3A_218 = arith.index_cast %get3A_217 : i32 to index
      %get3A_219 = arith.constant 0 : index
      %get3A_220 = tpu.vector_load %arg6[%get3A_218, %get3A_219] {strides = array<i32>} : memref<100x16xf32, #tpu.memory_space<vmem>>, vector<16xf32>,
      %add3A_221 = arith.addf %add3A_216, %get3A_220 : vector<16xf32>
      %get3A_222 = arith.constant 38 : i32
      %get3A_223 = arith.index_cast %get3A_222 : i32 to index
      %get3A_224 = arith.constant 0 : index
      %get3A_225 = tpu.vector_load %arg6[%get3A_223, %get3A_224] {strides = array<i32>} : memref<100x16xf32, #tpu.memory_space<vmem>>, vector<16xf32>,
      %add3A_226 = arith.addf %add3A_221, %get3A_225 : vector<16xf32>
      %get3A_227 = arith.constant 39 : i32
      %get3A_228 = arith.index_cast %get3A_227 : i32 to index
      %get3A_229 = arith.constant 0 : index
      %get3A_230 = tpu.vector_load %arg6[%get3A_228, %get3A_229] {strides = array<i32>} : memref<100x16xf32, #tpu.memory_space<vmem>>, vector<16xf32>,
      %add3A_231 = arith.addf %add3A_226, %get3A_230 : vector<16xf32>
      %get3A_232 = arith.constant 40 : i32
      %get3A_233 = arith.index_cast %get3A_232 : i32 to index
      %get3A_234 = arith.constant 0 : index
      %get3A_235 = tpu.vector_load %arg6[%get3A_233, %get3A_234] {strides = array<i32>} : memref<100x16xf32, #tpu.memory_space<vmem>>, vector<16xf32>,
      %add3A_236 = arith.addf %add3A_231, %get3A_235 : vector<16xf32>
      %get3A_237 = arith.constant 41 : i32
      %get3A_238 = arith.index_cast %get3A_237 : i32 to index
      %get3A_239 = arith.constant 0 : index
      %get3A_240 = tpu.vector_load %arg6[%get3A_238, %get3A_239] {strides = array<i32>} : memref<100x16xf32, #tpu.memory_space<vmem>>, vector<16xf32>,
      %add3A_241 = arith.addf %add3A_236, %get3A_240 : vector<16xf32>
      %get3A_242 = arith.constant 42 : i32
      %get3A_243 = arith.index_cast %get3A_242 : i32 to index
      %get3A_244 = arith.constant 0 : index
      %get3A_245 = tpu.vector_load %arg6[%get3A_243, %get3A_244] {strides = array<i32>} : memref<100x16xf32, #tpu.memory_space<vmem>>, vector<16xf32>,
      %add3A_246 = arith.addf %add3A_241, %get3A_245 : vector<16xf32>
      %get3A_247 = arith.constant 43 : i32
      %get3A_248 = arith.index_cast %get3A_247 : i32 to index
      %get3A_249 = arith.constant 0 : index
      %get3A_250 = tpu.vector_load %arg6[%get3A_248, %get3A_249] {strides = array<i32>} : memref<100x16xf32, #tpu.memory_space<vmem>>, vector<16xf32>,
      %add3A_251 = arith.addf %add3A_246, %get3A_250 : vector<16xf32>
      %get3A_252 = arith.constant 44 : i32
      %get3A_253 = arith.index_cast %get3A_252 : i32 to index
      %get3A_254 = arith.constant 0 : index
      %get3A_255 = tpu.vector_load %arg6[%get3A_253, %get3A_254] {strides = array<i32>} : memref<100x16xf32, #tpu.memory_space<vmem>>, vector<16xf32>,
      %add3A_256 = arith.addf %add3A_251, %get3A_255 : vector<16xf32>
      %get3A_257 = arith.constant 45 : i32
      %get3A_258 = arith.index_cast %get3A_257 : i32 to index
      %get3A_259 = arith.constant 0 : index
      %get3A_260 = tpu.vector_load %arg6[%get3A_258, %get3A_259] {strides = array<i32>} : memref<100x16xf32, #tpu.memory_space<vmem>>, vector<16xf32>,
      %add3A_261 = arith.addf %add3A_256, %get3A_260 : vector<16xf32>
      %get3A_262 = arith.constant 46 : i32
      %get3A_263 = arith.index_cast %get3A_262 : i32 to index
      %get3A_264 = arith.constant 0 : index
      %get3A_265 = tpu.vector_load %arg6[%get3A_263, %get3A_264] {strides = array<i32>} : memref<100x16xf32, #tpu.memory_space<vmem>>, vector<16xf32>,
      %add3A_266 = arith.addf %add3A_261, %get3A_265 : vector<16xf32>
      %get3A_267 = arith.constant 47 : i32
      %get3A_268 = arith.index_cast %get3A_267 : i32 to index
      %get3A_269 = arith.constant 0 : index
      %get3A_270 = tpu.vector_load %arg6[%get3A_268, %get3A_269] {strides = array<i32>} : memref<100x16xf32, #tpu.memory_space<vmem>>, vector<16xf32>,
      %add3A_271 = arith.addf %add3A_266, %get3A_270 : vector<16xf32>
      %get3A_272 = arith.constant 48 : i32
      %get3A_273 = arith.index_cast %get3A_272 : i32 to index
      %get3A_274 = arith.constant 0 : index
      %get3A_275 = tpu.vector_load %arg6[%get3A_273, %get3A_274] {strides = array<i32>} : memref<100x16xf32, #tpu.memory_space<vmem>>, vector<16xf32>,
      %add3A_276 = arith.addf %add3A_271, %get3A_275 : vector<16xf32>
      %get3A_277 = arith.constant 49 : i32
      %get3A_278 = arith.index_cast %get3A_277 : i32 to index
      %get3A_279 = arith.constant 0 : index
      %get3A_280 = tpu.vector_load %arg6[%get3A_278, %get3A_279] {strides = array<i32>} : memref<100x16xf32, #tpu.memory_space<vmem>>, vector<16xf32>,
      %add3A_281 = arith.addf %add3A_276, %get3A_280 : vector<16xf32>
      %mul3A_282 = arith.constant 2.000000e-02 : f32
      %mul3A_283 = vector.broadcast %mul3A_282 : f32 to vector<16xf32>
      %mul3A_284 = arith.mulf %add3A_281, %mul3A_283 : vector<16xf32>
      %mul3A_285 = arith.constant 2 : i32
      %mul3A_286 = arith.muli %mul3A_18, %mul3A_285 : i32
      %add3A_287 = arith.constant 0 : i32
      %add3A_288 = arith.addi %mul3A_286, %add3A_287 : i32
      %swap3A = arith.index_cast %add3A_288 : i32 to index
      %swap3A_289 = arith.constant 0 : index
      %swap3A_290 = tpu.vector_load %arg8[%swap3A, %swap3A_289] {strides = array<i32>} : memref<128x16xf32, #tpu.memory_space<vmem>>, vector<16xf32>,
      tpu.vector_store %arg8[%swap3A, %swap3A_289], %mul3A_284 {strides = array<i32>} : memref<128x16xf32, #tpu.memory_space<vmem>>, vector<16xf32>,
      %broadcast_in_dim3A_291 = arith.constant 0.000000e+00 : f32
      %broadcast_in_dim3A_292 = vector.broadcast %broadcast_in_dim3A_291 : f32 to vector<16xf32>
      %get3A_293 = arith.constant 50 : i32
      %get3A_294 = arith.index_cast %get3A_293 : i32 to index
      %get3A_295 = arith.constant 0 : index
      %get3A_296 = tpu.vector_load %arg6[%get3A_294, %get3A_295] {strides = array<i32>} : memref<100x16xf32, #tpu.memory_space<vmem>>, vector<16xf32>,
      %add3A_297 = arith.addf %broadcast_in_dim3A_292, %get3A_296 : vector<16xf32>
      %get3A_298 = arith.constant 51 : i32
      %get3A_299 = arith.index_cast %get3A_298 : i32 to index
      %get3A_300 = arith.constant 0 : index
      %get3A_301 = tpu.vector_load %arg6[%get3A_299, %get3A_300] {strides = array<i32>} : memref<100x16xf32, #tpu.memory_space<vmem>>, vector<16xf32>,
      %add3A_302 = arith.addf %add3A_297, %get3A_301 : vector<16xf32>
      %get3A_303 = arith.constant 52 : i32
      %get3A_304 = arith.index_cast %get3A_303 : i32 to index
      %get3A_305 = arith.constant 0 : index
      %get3A_306 = tpu.vector_load %arg6[%get3A_304, %get3A_305] {strides = array<i32>} : memref<100x16xf32, #tpu.memory_space<vmem>>, vector<16xf32>,
      %add3A_307 = arith.addf %add3A_302, %get3A_306 : vector<16xf32>
      %get3A_308 = arith.constant 53 : i32
      %get3A_309 = arith.index_cast %get3A_308 : i32 to index
      %get3A_310 = arith.constant 0 : index
      %get3A_311 = tpu.vector_load %arg6[%get3A_309, %get3A_310] {strides = array<i32>} : memref<100x16xf32, #tpu.memory_space<vmem>>, vector<16xf32>,
      %add3A_312 = arith.addf %add3A_307, %get3A_311 : vector<16xf32>
      %get3A_313 = arith.constant 54 : i32
      %get3A_314 = arith.index_cast %get3A_313 : i32 to index
      %get3A_315 = arith.constant 0 : index
      %get3A_316 = tpu.vector_load %arg6[%get3A_314, %get3A_315] {strides = array<i32>} : memref<100x16xf32, #tpu.memory_space<vmem>>, vector<16xf32>,
      %add3A_317 = arith.addf %add3A_312, %get3A_316 : vector<16xf32>
      %get3A_318 = arith.constant 55 : i32
      %get3A_319 = arith.index_cast %get3A_318 : i32 to index
      %get3A_320 = arith.constant 0 : index
      %get3A_321 = tpu.vector_load %arg6[%get3A_319, %get3A_320] {strides = array<i32>} : memref<100x16xf32, #tpu.memory_space<vmem>>, vector<16xf32>,
      %add3A_322 = arith.addf %add3A_317, %get3A_321 : vector<16xf32>
      %get3A_323 = arith.constant 56 : i32
      %get3A_324 = arith.index_cast %get3A_323 : i32 to index
      %get3A_325 = arith.constant 0 : index
      %get3A_326 = tpu.vector_load %arg6[%get3A_324, %get3A_325] {strides = array<i32>} : memref<100x16xf32, #tpu.memory_space<vmem>>, vector<16xf32>,
      %add3A_327 = arith.addf %add3A_322, %get3A_326 : vector<16xf32>
      %get3A_328 = arith.constant 57 : i32
      %get3A_329 = arith.index_cast %get3A_328 : i32 to index
      %get3A_330 = arith.constant 0 : index
      %get3A_331 = tpu.vector_load %arg6[%get3A_329, %get3A_330] {strides = array<i32>} : memref<100x16xf32, #tpu.memory_space<vmem>>, vector<16xf32>,
      %add3A_332 = arith.addf %add3A_327, %get3A_331 : vector<16xf32>
      %get3A_333 = arith.constant 58 : i32
      %get3A_334 = arith.index_cast %get3A_333 : i32 to index
      %get3A_335 = arith.constant 0 : index
      %get3A_336 = tpu.vector_load %arg6[%get3A_334, %get3A_335] {strides = array<i32>} : memref<100x16xf32, #tpu.memory_space<vmem>>, vector<16xf32>,
      %add3A_337 = arith.addf %add3A_332, %get3A_336 : vector<16xf32>
      %get3A_338 = arith.constant 59 : i32
      %get3A_339 = arith.index_cast %get3A_338 : i32 to index
      %get3A_340 = arith.constant 0 : index
      %get3A_341 = tpu.vector_load %arg6[%get3A_339, %get3A_340] {strides = array<i32>} : memref<100x16xf32, #tpu.memory_space<vmem>>, vector<16xf32>,
      %add3A_342 = arith.addf %add3A_337, %get3A_341 : vector<16xf32>
      %get3A_343 = arith.constant 60 : i32
      %get3A_344 = arith.index_cast %get3A_343 : i32 to index
      %get3A_345 = arith.constant 0 : index
      %get3A_346 = tpu.vector_load %arg6[%get3A_344, %get3A_345] {strides = array<i32>} : memref<100x16xf32, #tpu.memory_space<vmem>>, vector<16xf32>,
      %add3A_347 = arith.addf %add3A_342, %get3A_346 : vector<16xf32>
      %get3A_348 = arith.constant 61 : i32
      %get3A_349 = arith.index_cast %get3A_348 : i32 to index
      %get3A_350 = arith.constant 0 : index
      %get3A_351 = tpu.vector_load %arg6[%get3A_349, %get3A_350] {strides = array<i32>} : memref<100x16xf32, #tpu.memory_space<vmem>>, vector<16xf32>,
      %add3A_352 = arith.addf %add3A_347, %get3A_351 : vector<16xf32>
      %get3A_353 = arith.constant 62 : i32
      %get3A_354 = arith.index_cast %get3A_353 : i32 to index
      %get3A_355 = arith.constant 0 : index
      %get3A_356 = tpu.vector_load %arg6[%get3A_354, %get3A_355] {strides = array<i32>} : memref<100x16xf32, #tpu.memory_space<vmem>>, vector<16xf32>,
      %add3A_357 = arith.addf %add3A_352, %get3A_356 : vector<16xf32>
      %get3A_358 = arith.constant 63 : i32
      %get3A_359 = arith.index_cast %get3A_358 : i32 to index
      %get3A_360 = arith.constant 0 : index
      %get3A_361 = tpu.vector_load %arg6[%get3A_359, %get3A_360] {strides = array<i32>} : memref<100x16xf32, #tpu.memory_space<vmem>>, vector<16xf32>,
      %add3A_362 = arith.addf %add3A_357, %get3A_361 : vector<16xf32>
      %get3A_363 = arith.constant 64 : i32
      %get3A_364 = arith.index_cast %get3A_363 : i32 to index
      %get3A_365 = arith.constant 0 : index
      %get3A_366 = tpu.vector_load %arg6[%get3A_364, %get3A_365] {strides = array<i32>} : memref<100x16xf32, #tpu.memory_space<vmem>>, vector<16xf32>,
      %add3A_367 = arith.addf %add3A_362, %get3A_366 : vector<16xf32>
      %get3A_368 = arith.constant 65 : i32
      %get3A_369 = arith.index_cast %get3A_368 : i32 to index
      %get3A_370 = arith.constant 0 : index
      %get3A_371 = tpu.vector_load %arg6[%get3A_369, %get3A_370] {strides = array<i32>} : memref<100x16xf32, #tpu.memory_space<vmem>>, vector<16xf32>,
      %add3A_372 = arith.addf %add3A_367, %get3A_371 : vector<16xf32>
      %get3A_373 = arith.constant 66 : i32
      %get3A_374 = arith.index_cast %get3A_373 : i32 to index
      %get3A_375 = arith.constant 0 : index
      %get3A_376 = tpu.vector_load %arg6[%get3A_374, %get3A_375] {strides = array<i32>} : memref<100x16xf32, #tpu.memory_space<vmem>>, vector<16xf32>,
      %add3A_377 = arith.addf %add3A_372, %get3A_376 : vector<16xf32>
      %get3A_378 = arith.constant 67 : i32
      %get3A_379 = arith.index_cast %get3A_378 : i32 to index
      %get3A_380 = arith.constant 0 : index
      %get3A_381 = tpu.vector_load %arg6[%get3A_379, %get3A_380] {strides = array<i32>} : memref<100x16xf32, #tpu.memory_space<vmem>>, vector<16xf32>,
      %add3A_382 = arith.addf %add3A_377, %get3A_381 : vector<16xf32>
      %get3A_383 = arith.constant 68 : i32
      %get3A_384 = arith.index_cast %get3A_383 : i32 to index
      %get3A_385 = arith.constant 0 : index
      %get3A_386 = tpu.vector_load %arg6[%get3A_384, %get3A_385] {strides = array<i32>} : memref<100x16xf32, #tpu.memory_space<vmem>>, vector<16xf32>,
      %add3A_387 = arith.addf %add3A_382, %get3A_386 : vector<16xf32>
      %get3A_388 = arith.constant 69 : i32
      %get3A_389 = arith.index_cast %get3A_388 : i32 to index
      %get3A_390 = arith.constant 0 : index
      %get3A_391 = tpu.vector_load %arg6[%get3A_389, %get3A_390] {strides = array<i32>} : memref<100x16xf32, #tpu.memory_space<vmem>>, vector<16xf32>,
      %add3A_392 = arith.addf %add3A_387, %get3A_391 : vector<16xf32>
      %get3A_393 = arith.constant 70 : i32
      %get3A_394 = arith.index_cast %get3A_393 : i32 to index
      %get3A_395 = arith.constant 0 : index
      %get3A_396 = tpu.vector_load %arg6[%get3A_394, %get3A_395] {strides = array<i32>} : memref<100x16xf32, #tpu.memory_space<vmem>>, vector<16xf32>,
      %add3A_397 = arith.addf %add3A_392, %get3A_396 : vector<16xf32>
      %get3A_398 = arith.constant 71 : i32
      %get3A_399 = arith.index_cast %get3A_398 : i32 to index
      %get3A_400 = arith.constant 0 : index
      %get3A_401 = tpu.vector_load %arg6[%get3A_399, %get3A_400] {strides = array<i32>} : memref<100x16xf32, #tpu.memory_space<vmem>>, vector<16xf32>,
      %add3A_402 = arith.addf %add3A_397, %get3A_401 : vector<16xf32>
      %get3A_403 = arith.constant 72 : i32
      %get3A_404 = arith.index_cast %get3A_403 : i32 to index
      %get3A_405 = arith.constant 0 : index
      %get3A_406 = tpu.vector_load %arg6[%get3A_404, %get3A_405] {strides = array<i32>} : memref<100x16xf32, #tpu.memory_space<vmem>>, vector<16xf32>,
      %add3A_407 = arith.addf %add3A_402, %get3A_406 : vector<16xf32>
      %get3A_408 = arith.constant 73 : i32
      %get3A_409 = arith.index_cast %get3A_408 : i32 to index
      %get3A_410 = arith.constant 0 : index
      %get3A_411 = tpu.vector_load %arg6[%get3A_409, %get3A_410] {strides = array<i32>} : memref<100x16xf32, #tpu.memory_space<vmem>>, vector<16xf32>,
      %add3A_412 = arith.addf %add3A_407, %get3A_411 : vector<16xf32>
      %get3A_413 = arith.constant 74 : i32
      %get3A_414 = arith.index_cast %get3A_413 : i32 to index
      %get3A_415 = arith.constant 0 : index
      %get3A_416 = tpu.vector_load %arg6[%get3A_414, %get3A_415] {strides = array<i32>} : memref<100x16xf32, #tpu.memory_space<vmem>>, vector<16xf32>,
      %add3A_417 = arith.addf %add3A_412, %get3A_416 : vector<16xf32>
      %get3A_418 = arith.constant 75 : i32
      %get3A_419 = arith.index_cast %get3A_418 : i32 to index
      %get3A_420 = arith.constant 0 : index
      %get3A_421 = tpu.vector_load %arg6[%get3A_419, %get3A_420] {strides = array<i32>} : memref<100x16xf32, #tpu.memory_space<vmem>>, vector<16xf32>,
      %add3A_422 = arith.addf %add3A_417, %get3A_421 : vector<16xf32>
      %get3A_423 = arith.constant 76 : i32
      %get3A_424 = arith.index_cast %get3A_423 : i32 to index
      %get3A_425 = arith.constant 0 : index
      %get3A_426 = tpu.vector_load %arg6[%get3A_424, %get3A_425] {strides = array<i32>} : memref<100x16xf32, #tpu.memory_space<vmem>>, vector<16xf32>,
      %add3A_427 = arith.addf %add3A_422, %get3A_426 : vector<16xf32>
      %get3A_428 = arith.constant 77 : i32
      %get3A_429 = arith.index_cast %get3A_428 : i32 to index
      %get3A_430 = arith.constant 0 : index
      %get3A_431 = tpu.vector_load %arg6[%get3A_429, %get3A_430] {strides = array<i32>} : memref<100x16xf32, #tpu.memory_space<vmem>>, vector<16xf32>,
      %add3A_432 = arith.addf %add3A_427, %get3A_431 : vector<16xf32>
      %get3A_433 = arith.constant 78 : i32
      %get3A_434 = arith.index_cast %get3A_433 : i32 to index
      %get3A_435 = arith.constant 0 : index
      %get3A_436 = tpu.vector_load %arg6[%get3A_434, %get3A_435] {strides = array<i32>} : memref<100x16xf32, #tpu.memory_space<vmem>>, vector<16xf32>,
      %add3A_437 = arith.addf %add3A_432, %get3A_436 : vector<16xf32>
      %get3A_438 = arith.constant 79 : i32
      %get3A_439 = arith.index_cast %get3A_438 : i32 to index
      %get3A_440 = arith.constant 0 : index
      %get3A_441 = tpu.vector_load %arg6[%get3A_439, %get3A_440] {strides = array<i32>} : memref<100x16xf32, #tpu.memory_space<vmem>>, vector<16xf32>,
      %add3A_442 = arith.addf %add3A_437, %get3A_441 : vector<16xf32>
      %get3A_443 = arith.constant 80 : i32
      %get3A_444 = arith.index_cast %get3A_443 : i32 to index
      %get3A_445 = arith.constant 0 : index
      %get3A_446 = tpu.vector_load %arg6[%get3A_444, %get3A_445] {strides = array<i32>} : memref<100x16xf32, #tpu.memory_space<vmem>>, vector<16xf32>,
      %add3A_447 = arith.addf %add3A_442, %get3A_446 : vector<16xf32>
      %get3A_448 = arith.constant 81 : i32
      %get3A_449 = arith.index_cast %get3A_448 : i32 to index
      %get3A_450 = arith.constant 0 : index
      %get3A_451 = tpu.vector_load %arg6[%get3A_449, %get3A_450] {strides = array<i32>} : memref<100x16xf32, #tpu.memory_space<vmem>>, vector<16xf32>,
      %add3A_452 = arith.addf %add3A_447, %get3A_451 : vector<16xf32>
      %get3A_453 = arith.constant 82 : i32
      %get3A_454 = arith.index_cast %get3A_453 : i32 to index
      %get3A_455 = arith.constant 0 : index
      %get3A_456 = tpu.vector_load %arg6[%get3A_454, %get3A_455] {strides = array<i32>} : memref<100x16xf32, #tpu.memory_space<vmem>>, vector<16xf32>,
      %add3A_457 = arith.addf %add3A_452, %get3A_456 : vector<16xf32>
      %get3A_458 = arith.constant 83 : i32
      %get3A_459 = arith.index_cast %get3A_458 : i32 to index
      %get3A_460 = arith.constant 0 : index
      %get3A_461 = tpu.vector_load %arg6[%get3A_459, %get3A_460] {strides = array<i32>} : memref<100x16xf32, #tpu.memory_space<vmem>>, vector<16xf32>,
      %add3A_462 = arith.addf %add3A_457, %get3A_461 : vector<16xf32>
      %get3A_463 = arith.constant 84 : i32
      %get3A_464 = arith.index_cast %get3A_463 : i32 to index
      %get3A_465 = arith.constant 0 : index
      %get3A_466 = tpu.vector_load %arg6[%get3A_464, %get3A_465] {strides = array<i32>} : memref<100x16xf32, #tpu.memory_space<vmem>>, vector<16xf32>,
      %add3A_467 = arith.addf %add3A_462, %get3A_466 : vector<16xf32>
      %get3A_468 = arith.constant 85 : i32
      %get3A_469 = arith.index_cast %get3A_468 : i32 to index
      %get3A_470 = arith.constant 0 : index
      %get3A_471 = tpu.vector_load %arg6[%get3A_469, %get3A_470] {strides = array<i32>} : memref<100x16xf32, #tpu.memory_space<vmem>>, vector<16xf32>,
      %add3A_472 = arith.addf %add3A_467, %get3A_471 : vector<16xf32>
      %get3A_473 = arith.constant 86 : i32
      %get3A_474 = arith.index_cast %get3A_473 : i32 to index
      %get3A_475 = arith.constant 0 : index
      %get3A_476 = tpu.vector_load %arg6[%get3A_474, %get3A_475] {strides = array<i32>} : memref<100x16xf32, #tpu.memory_space<vmem>>, vector<16xf32>,
      %add3A_477 = arith.addf %add3A_472, %get3A_476 : vector<16xf32>
      %get3A_478 = arith.constant 87 : i32
      %get3A_479 = arith.index_cast %get3A_478 : i32 to index
      %get3A_480 = arith.constant 0 : index
      %get3A_481 = tpu.vector_load %arg6[%get3A_479, %get3A_480] {strides = array<i32>} : memref<100x16xf32, #tpu.memory_space<vmem>>, vector<16xf32>,
      %add3A_482 = arith.addf %add3A_477, %get3A_481 : vector<16xf32>
      %get3A_483 = arith.constant 88 : i32
      %get3A_484 = arith.index_cast %get3A_483 : i32 to index
      %get3A_485 = arith.constant 0 : index
      %get3A_486 = tpu.vector_load %arg6[%get3A_484, %get3A_485] {strides = array<i32>} : memref<100x16xf32, #tpu.memory_space<vmem>>, vector<16xf32>,
      %add3A_487 = arith.addf %add3A_482, %get3A_486 : vector<16xf32>
      %get3A_488 = arith.constant 89 : i32
      %get3A_489 = arith.index_cast %get3A_488 : i32 to index
      %get3A_490 = arith.constant 0 : index
      %get3A_491 = tpu.vector_load %arg6[%get3A_489, %get3A_490] {strides = array<i32>} : memref<100x16xf32, #tpu.memory_space<vmem>>, vector<16xf32>,
      %add3A_492 = arith.addf %add3A_487, %get3A_491 : vector<16xf32>
      %get3A_493 = arith.constant 90 : i32
      %get3A_494 = arith.index_cast %get3A_493 : i32 to index
      %get3A_495 = arith.constant 0 : index
      %get3A_496 = tpu.vector_load %arg6[%get3A_494, %get3A_495] {strides = array<i32>} : memref<100x16xf32, #tpu.memory_space<vmem>>, vector<16xf32>,
      %add3A_497 = arith.addf %add3A_492, %get3A_496 : vector<16xf32>
      %get3A_498 = arith.constant 91 : i32
      %get3A_499 = arith.index_cast %get3A_498 : i32 to index
      %get3A_500 = arith.constant 0 : index
      %get3A_501 = tpu.vector_load %arg6[%get3A_499, %get3A_500] {strides = array<i32>} : memref<100x16xf32, #tpu.memory_space<vmem>>, vector<16xf32>,
      %add3A_502 = arith.addf %add3A_497, %get3A_501 : vector<16xf32>
      %get3A_503 = arith.constant 92 : i32
      %get3A_504 = arith.index_cast %get3A_503 : i32 to index
      %get3A_505 = arith.constant 0 : index
      %get3A_506 = tpu.vector_load %arg6[%get3A_504, %get3A_505] {strides = array<i32>} : memref<100x16xf32, #tpu.memory_space<vmem>>, vector<16xf32>,
      %add3A_507 = arith.addf %add3A_502, %get3A_506 : vector<16xf32>
      %get3A_508 = arith.constant 93 : i32
      %get3A_509 = arith.index_cast %get3A_508 : i32 to index
      %get3A_510 = arith.constant 0 : index
      %get3A_511 = tpu.vector_load %arg6[%get3A_509, %get3A_510] {strides = array<i32>} : memref<100x16xf32, #tpu.memory_space<vmem>>, vector<16xf32>,
      %add3A_512 = arith.addf %add3A_507, %get3A_511 : vector<16xf32>
      %get3A_513 = arith.constant 94 : i32
      %get3A_514 = arith.index_cast %get3A_513 : i32 to index
      %get3A_515 = arith.constant 0 : index
      %get3A_516 = tpu.vector_load %arg6[%get3A_514, %get3A_515] {strides = array<i32>} : memref<100x16xf32, #tpu.memory_space<vmem>>, vector<16xf32>,
      %add3A_517 = arith.addf %add3A_512, %get3A_516 : vector<16xf32>
      %get3A_518 = arith.constant 95 : i32
      %get3A_519 = arith.index_cast %get3A_518 : i32 to index
      %get3A_520 = arith.constant 0 : index
      %get3A_521 = tpu.vector_load %arg6[%get3A_519, %get3A_520] {strides = array<i32>} : memref<100x16xf32, #tpu.memory_space<vmem>>, vector<16xf32>,
      %add3A_522 = arith.addf %add3A_517, %get3A_521 : vector<16xf32>
      %get3A_523 = arith.constant 96 : i32
      %get3A_524 = arith.index_cast %get3A_523 : i32 to index
      %get3A_525 = arith.constant 0 : index
      %get3A_526 = tpu.vector_load %arg6[%get3A_524, %get3A_525] {strides = array<i32>} : memref<100x16xf32, #tpu.memory_space<vmem>>, vector<16xf32>,
      %add3A_527 = arith.addf %add3A_522, %get3A_526 : vector<16xf32>
      %get3A_528 = arith.constant 97 : i32
      %get3A_529 = arith.index_cast %get3A_528 : i32 to index
      %get3A_530 = arith.constant 0 : index
      %get3A_531 = tpu.vector_load %arg6[%get3A_529, %get3A_530] {strides = array<i32>} : memref<100x16xf32, #tpu.memory_space<vmem>>, vector<16xf32>,
      %add3A_532 = arith.addf %add3A_527, %get3A_531 : vector<16xf32>
      %get3A_533 = arith.constant 98 : i32
      %get3A_534 = arith.index_cast %get3A_533 : i32 to index
      %get3A_535 = arith.constant 0 : index
      %get3A_536 = tpu.vector_load %arg6[%get3A_534, %get3A_535] {strides = array<i32>} : memref<100x16xf32, #tpu.memory_space<vmem>>, vector<16xf32>,
      %add3A_537 = arith.addf %add3A_532, %get3A_536 : vector<16xf32>
      %get3A_538 = arith.constant 99 : i32
      %get3A_539 = arith.index_cast %get3A_538 : i32 to index
      %get3A_540 = arith.constant 0 : index
      %get3A_541 = tpu.vector_load %arg6[%get3A_539, %get3A_540] {strides = array<i32>} : memref<100x16xf32, #tpu.memory_space<vmem>>, vector<16xf32>,
      %add3A_542 = arith.addf %add3A_537, %get3A_541 : vector<16xf32>
      %mul3A_543 = arith.constant 2.000000e-02 : f32
      %mul3A_544 = vector.broadcast %mul3A_543 : f32 to vector<16xf32>
      %mul3A_545 = arith.mulf %add3A_542, %mul3A_544 : vector<16xf32>
      %mul3A_546 = arith.constant 2 : i32
      %mul3A_547 = arith.muli %mul3A_18, %mul3A_546 : i32
      %add3A_548 = arith.constant 1 : i32
      %add3A_549 = arith.addi %mul3A_547, %add3A_548 : i32
      %swap3A_550 = arith.index_cast %add3A_549 : i32 to index
      %swap3A_551 = arith.constant 0 : index
      %swap3A_552 = tpu.vector_load %arg8[%swap3A_550, %swap3A_551] {strides = array<i32>} : memref<128x16xf32, #tpu.memory_space<vmem>>, vector<16xf32>,
      tpu.vector_store %arg8[%swap3A_550, %swap3A_551], %mul3A_545 {strides = array<i32>} : memref<128x16xf32, #tpu.memory_space<vmem>>, vector<16xf32>,
      %lt3A = arith.constant 31 : i32
      %lt3A_553 = arith.cmpi slt, %scan3A_16, %lt3A : i32
      %convert_element_type3A = arith.extui %lt3A_553 : i1 to i32
      %cond3A = arith.constant 0 : i32
      %cond3A_554 = arith.cmpi ne, %convert_element_type3A, %cond3A : i32
      scf.if %cond3A_554 {
        %add3A_1089 = arith.constant 2 : i32
        %add3A_1090 = arith.addi %mul3A_18, %add3A_1089 : i32
        %dma_start3A_1091 = arith.constant 0 : i32
        %dma_start3A_1092 = tpu.memref_slice %arg5[%add3A_1090, %dma_start3A_1091] : memref<64x100xi32, #tpu.memory_space<vmem>> -> memref<1x100xi32, #tpu.memory_space<vmem>>
        %dma_start3A_1093 = tpu.memref_squeeze %dma_start3A_1092 : memref<1x100xi32, #tpu.memory_space<vmem>> -> memref<100xi32, #tpu.memory_space<vmem>>
        %dma_start3A_1094 = arith.constant 0 : i32
        %dma_start3A_1095 = arith.constant 0 : i32
        %dma_start3A_1096 = tpu.memref_slice %arg2[%dma_start3A_1094, %dma_start3A_1095] : memref<1015808x16xf32, #tpu.memory_space<hbm>> -> memref<1015808x16xf32, #tpu.memory_space<hbm>>
        tpu.enqueue_indirect_dma source(%dma_start3A_1096 : memref<1015808x16xf32, #tpu.memory_space<hbm>>) target(%arg6 : memref<100x16xf32, #tpu.memory_space<vmem>>) offsets(%dma_start3A_1093 : memref<100xi32, #tpu.memory_space<vmem>>) semaphore(%arg9 : memref<!tpu.dma_semaphore, #tpu.memory_space<semaphore_mem>>)
      } else {
      }
      %add3A_555 = arith.constant 1 : i32
      %add3A_556 = arith.addi %mul3A_18, %add3A_555 : i32
      %dma_wait3A_557 = arith.constant 0 : i32
      %dma_wait3A_558 = tpu.memref_slice %arg5[%add3A_556, %dma_wait3A_557] : memref<64x100xi32, #tpu.memory_space<vmem>> -> memref<1x100xi32, #tpu.memory_space<vmem>>
      %dma_wait3A_559 = tpu.memref_squeeze %dma_wait3A_558 : memref<1x100xi32, #tpu.memory_space<vmem>> -> memref<100xi32, #tpu.memory_space<vmem>>
      %dma_wait3A_560 = arith.constant 0 : i32
      %dma_wait3A_561 = arith.constant 0 : i32
      %dma_wait3A_562 = tpu.memref_slice %arg2[%dma_wait3A_560, %dma_wait3A_561] : memref<1015808x16xf32, #tpu.memory_space<hbm>> -> memref<1015808x16xf32, #tpu.memory_space<hbm>>
      tpu.wait_indirect_dma semaphore(%arg10 : memref<!tpu.dma_semaphore, #tpu.memory_space<semaphore_mem>>) src(%dma_wait3A_562 : memref<1015808x16xf32, #tpu.memory_space<hbm>>) dst(%arg7 : memref<100x16xf32, #tpu.memory_space<vmem>>)
      %add3A_563 = arith.constant 1 : i32
      %add3A_564 = arith.addi %mul3A_18, %add3A_563 : i32
      %broadcast_in_dim3A_565 = arith.constant 0.000000e+00 : f32
      %broadcast_in_dim3A_566 = vector.broadcast %broadcast_in_dim3A_565 : f32 to vector<16xf32>
      %get3A_567 = arith.constant 0 : i32
      %get3A_568 = arith.index_cast %get3A_567 : i32 to index
      %get3A_569 = arith.constant 0 : index
      %get3A_570 = tpu.vector_load %arg7[%get3A_568, %get3A_569] {strides = array<i32>} : memref<100x16xf32, #tpu.memory_space<vmem>>, vector<16xf32>,
      %add3A_571 = arith.addf %broadcast_in_dim3A_566, %get3A_570 : vector<16xf32>
      %get3A_572 = arith.constant 1 : i32
      %get3A_573 = arith.index_cast %get3A_572 : i32 to index
      %get3A_574 = arith.constant 0 : index
      %get3A_575 = tpu.vector_load %arg7[%get3A_573, %get3A_574] {strides = array<i32>} : memref<100x16xf32, #tpu.memory_space<vmem>>, vector<16xf32>,
      %add3A_576 = arith.addf %add3A_571, %get3A_575 : vector<16xf32>
      %get3A_577 = arith.constant 2 : i32
      %get3A_578 = arith.index_cast %get3A_577 : i32 to index
      %get3A_579 = arith.constant 0 : index
      %get3A_580 = tpu.vector_load %arg7[%get3A_578, %get3A_579] {strides = array<i32>} : memref<100x16xf32, #tpu.memory_space<vmem>>, vector<16xf32>,
      %add3A_581 = arith.addf %add3A_576, %get3A_580 : vector<16xf32>
      %get3A_582 = arith.constant 3 : i32
      %get3A_583 = arith.index_cast %get3A_582 : i32 to index
      %get3A_584 = arith.constant 0 : index
      %get3A_585 = tpu.vector_load %arg7[%get3A_583, %get3A_584] {strides = array<i32>} : memref<100x16xf32, #tpu.memory_space<vmem>>, vector<16xf32>,
      %add3A_586 = arith.addf %add3A_581, %get3A_585 : vector<16xf32>
      %get3A_587 = arith.constant 4 : i32
      %get3A_588 = arith.index_cast %get3A_587 : i32 to index
      %get3A_589 = arith.constant 0 : index
      %get3A_590 = tpu.vector_load %arg7[%get3A_588, %get3A_589] {strides = array<i32>} : memref<100x16xf32, #tpu.memory_space<vmem>>, vector<16xf32>,
      %add3A_591 = arith.addf %add3A_586, %get3A_590 : vector<16xf32>
      %get3A_592 = arith.constant 5 : i32
      %get3A_593 = arith.index_cast %get3A_592 : i32 to index
      %get3A_594 = arith.constant 0 : index
      %get3A_595 = tpu.vector_load %arg7[%get3A_593, %get3A_594] {strides = array<i32>} : memref<100x16xf32, #tpu.memory_space<vmem>>, vector<16xf32>,
      %add3A_596 = arith.addf %add3A_591, %get3A_595 : vector<16xf32>
      %get3A_597 = arith.constant 6 : i32
      %get3A_598 = arith.index_cast %get3A_597 : i32 to index
      %get3A_599 = arith.constant 0 : index
      %get3A_600 = tpu.vector_load %arg7[%get3A_598, %get3A_599] {strides = array<i32>} : memref<100x16xf32, #tpu.memory_space<vmem>>, vector<16xf32>,
      %add3A_601 = arith.addf %add3A_596, %get3A_600 : vector<16xf32>
      %get3A_602 = arith.constant 7 : i32
      %get3A_603 = arith.index_cast %get3A_602 : i32 to index
      %get3A_604 = arith.constant 0 : index
      %get3A_605 = tpu.vector_load %arg7[%get3A_603, %get3A_604] {strides = array<i32>} : memref<100x16xf32, #tpu.memory_space<vmem>>, vector<16xf32>,
      %add3A_606 = arith.addf %add3A_601, %get3A_605 : vector<16xf32>
      %get3A_607 = arith.constant 8 : i32
      %get3A_608 = arith.index_cast %get3A_607 : i32 to index
      %get3A_609 = arith.constant 0 : index
      %get3A_610 = tpu.vector_load %arg7[%get3A_608, %get3A_609] {strides = array<i32>} : memref<100x16xf32, #tpu.memory_space<vmem>>, vector<16xf32>,
      %add3A_611 = arith.addf %add3A_606, %get3A_610 : vector<16xf32>
      %get3A_612 = arith.constant 9 : i32
      %get3A_613 = arith.index_cast %get3A_612 : i32 to index
      %get3A_614 = arith.constant 0 : index
      %get3A_615 = tpu.vector_load %arg7[%get3A_613, %get3A_614] {strides = array<i32>} : memref<100x16xf32, #tpu.memory_space<vmem>>, vector<16xf32>,
      %add3A_616 = arith.addf %add3A_611, %get3A_615 : vector<16xf32>
      %get3A_617 = arith.constant 10 : i32
      %get3A_618 = arith.index_cast %get3A_617 : i32 to index
      %get3A_619 = arith.constant 0 : index
      %get3A_620 = tpu.vector_load %arg7[%get3A_618, %get3A_619] {strides = array<i32>} : memref<100x16xf32, #tpu.memory_space<vmem>>, vector<16xf32>,
      %add3A_621 = arith.addf %add3A_616, %get3A_620 : vector<16xf32>
      %get3A_622 = arith.constant 11 : i32
      %get3A_623 = arith.index_cast %get3A_622 : i32 to index
      %get3A_624 = arith.constant 0 : index
      %get3A_625 = tpu.vector_load %arg7[%get3A_623, %get3A_624] {strides = array<i32>} : memref<100x16xf32, #tpu.memory_space<vmem>>, vector<16xf32>,
      %add3A_626 = arith.addf %add3A_621, %get3A_625 : vector<16xf32>
      %get3A_627 = arith.constant 12 : i32
      %get3A_628 = arith.index_cast %get3A_627 : i32 to index
      %get3A_629 = arith.constant 0 : index
      %get3A_630 = tpu.vector_load %arg7[%get3A_628, %get3A_629] {strides = array<i32>} : memref<100x16xf32, #tpu.memory_space<vmem>>, vector<16xf32>,
      %add3A_631 = arith.addf %add3A_626, %get3A_630 : vector<16xf32>
      %get3A_632 = arith.constant 13 : i32
      %get3A_633 = arith.index_cast %get3A_632 : i32 to index
      %get3A_634 = arith.constant 0 : index
      %get3A_635 = tpu.vector_load %arg7[%get3A_633, %get3A_634] {strides = array<i32>} : memref<100x16xf32, #tpu.memory_space<vmem>>, vector<16xf32>,
      %add3A_636 = arith.addf %add3A_631, %get3A_635 : vector<16xf32>
      %get3A_637 = arith.constant 14 : i32
      %get3A_638 = arith.index_cast %get3A_637 : i32 to index
      %get3A_639 = arith.constant 0 : index
      %get3A_640 = tpu.vector_load %arg7[%get3A_638, %get3A_639] {strides = array<i32>} : memref<100x16xf32, #tpu.memory_space<vmem>>, vector<16xf32>,
      %add3A_641 = arith.addf %add3A_636, %get3A_640 : vector<16xf32>
      %get3A_642 = arith.constant 15 : i32
      %get3A_643 = arith.index_cast %get3A_642 : i32 to index
      %get3A_644 = arith.constant 0 : index
      %get3A_645 = tpu.vector_load %arg7[%get3A_643, %get3A_644] {strides = array<i32>} : memref<100x16xf32, #tpu.memory_space<vmem>>, vector<16xf32>,
      %add3A_646 = arith.addf %add3A_641, %get3A_645 : vector<16xf32>
      %get3A_647 = arith.constant 16 : i32
      %get3A_648 = arith.index_cast %get3A_647 : i32 to index
      %get3A_649 = arith.constant 0 : index
      %get3A_650 = tpu.vector_load %arg7[%get3A_648, %get3A_649] {strides = array<i32>} : memref<100x16xf32, #tpu.memory_space<vmem>>, vector<16xf32>,
      %add3A_651 = arith.addf %add3A_646, %get3A_650 : vector<16xf32>
      %get3A_652 = arith.constant 17 : i32
      %get3A_653 = arith.index_cast %get3A_652 : i32 to index
      %get3A_654 = arith.constant 0 : index
      %get3A_655 = tpu.vector_load %arg7[%get3A_653, %get3A_654] {strides = array<i32>} : memref<100x16xf32, #tpu.memory_space<vmem>>, vector<16xf32>,
      %add3A_656 = arith.addf %add3A_651, %get3A_655 : vector<16xf32>
      %get3A_657 = arith.constant 18 : i32
      %get3A_658 = arith.index_cast %get3A_657 : i32 to index
      %get3A_659 = arith.constant 0 : index
      %get3A_660 = tpu.vector_load %arg7[%get3A_658, %get3A_659] {strides = array<i32>} : memref<100x16xf32, #tpu.memory_space<vmem>>, vector<16xf32>,
      %add3A_661 = arith.addf %add3A_656, %get3A_660 : vector<16xf32>
      %get3A_662 = arith.constant 19 : i32
      %get3A_663 = arith.index_cast %get3A_662 : i32 to index
      %get3A_664 = arith.constant 0 : index
      %get3A_665 = tpu.vector_load %arg7[%get3A_663, %get3A_664] {strides = array<i32>} : memref<100x16xf32, #tpu.memory_space<vmem>>, vector<16xf32>,
      %add3A_666 = arith.addf %add3A_661, %get3A_665 : vector<16xf32>
      %get3A_667 = arith.constant 20 : i32
      %get3A_668 = arith.index_cast %get3A_667 : i32 to index
      %get3A_669 = arith.constant 0 : index
      %get3A_670 = tpu.vector_load %arg7[%get3A_668, %get3A_669] {strides = array<i32>} : memref<100x16xf32, #tpu.memory_space<vmem>>, vector<16xf32>,
      %add3A_671 = arith.addf %add3A_666, %get3A_670 : vector<16xf32>
      %get3A_672 = arith.constant 21 : i32
      %get3A_673 = arith.index_cast %get3A_672 : i32 to index
      %get3A_674 = arith.constant 0 : index
      %get3A_675 = tpu.vector_load %arg7[%get3A_673, %get3A_674] {strides = array<i32>} : memref<100x16xf32, #tpu.memory_space<vmem>>, vector<16xf32>,
      %add3A_676 = arith.addf %add3A_671, %get3A_675 : vector<16xf32>
      %get3A_677 = arith.constant 22 : i32
      %get3A_678 = arith.index_cast %get3A_677 : i32 to index
      %get3A_679 = arith.constant 0 : index
      %get3A_680 = tpu.vector_load %arg7[%get3A_678, %get3A_679] {strides = array<i32>} : memref<100x16xf32, #tpu.memory_space<vmem>>, vector<16xf32>,
      %add3A_681 = arith.addf %add3A_676, %get3A_680 : vector<16xf32>
      %get3A_682 = arith.constant 23 : i32
      %get3A_683 = arith.index_cast %get3A_682 : i32 to index
      %get3A_684 = arith.constant 0 : index
      %get3A_685 = tpu.vector_load %arg7[%get3A_683, %get3A_684] {strides = array<i32>} : memref<100x16xf32, #tpu.memory_space<vmem>>, vector<16xf32>,
      %add3A_686 = arith.addf %add3A_681, %get3A_685 : vector<16xf32>
      %get3A_687 = arith.constant 24 : i32
      %get3A_688 = arith.index_cast %get3A_687 : i32 to index
      %get3A_689 = arith.constant 0 : index
      %get3A_690 = tpu.vector_load %arg7[%get3A_688, %get3A_689] {strides = array<i32>} : memref<100x16xf32, #tpu.memory_space<vmem>>, vector<16xf32>,
      %add3A_691 = arith.addf %add3A_686, %get3A_690 : vector<16xf32>
      %get3A_692 = arith.constant 25 : i32
      %get3A_693 = arith.index_cast %get3A_692 : i32 to index
      %get3A_694 = arith.constant 0 : index
      %get3A_695 = tpu.vector_load %arg7[%get3A_693, %get3A_694] {strides = array<i32>} : memref<100x16xf32, #tpu.memory_space<vmem>>, vector<16xf32>,
      %add3A_696 = arith.addf %add3A_691, %get3A_695 : vector<16xf32>
      %get3A_697 = arith.constant 26 : i32
      %get3A_698 = arith.index_cast %get3A_697 : i32 to index
      %get3A_699 = arith.constant 0 : index
      %get3A_700 = tpu.vector_load %arg7[%get3A_698, %get3A_699] {strides = array<i32>} : memref<100x16xf32, #tpu.memory_space<vmem>>, vector<16xf32>,
      %add3A_701 = arith.addf %add3A_696, %get3A_700 : vector<16xf32>
      %get3A_702 = arith.constant 27 : i32
      %get3A_703 = arith.index_cast %get3A_702 : i32 to index
      %get3A_704 = arith.constant 0 : index
      %get3A_705 = tpu.vector_load %arg7[%get3A_703, %get3A_704] {strides = array<i32>} : memref<100x16xf32, #tpu.memory_space<vmem>>, vector<16xf32>,
      %add3A_706 = arith.addf %add3A_701, %get3A_705 : vector<16xf32>
      %get3A_707 = arith.constant 28 : i32
      %get3A_708 = arith.index_cast %get3A_707 : i32 to index
      %get3A_709 = arith.constant 0 : index
      %get3A_710 = tpu.vector_load %arg7[%get3A_708, %get3A_709] {strides = array<i32>} : memref<100x16xf32, #tpu.memory_space<vmem>>, vector<16xf32>,
      %add3A_711 = arith.addf %add3A_706, %get3A_710 : vector<16xf32>
      %get3A_712 = arith.constant 29 : i32
      %get3A_713 = arith.index_cast %get3A_712 : i32 to index
      %get3A_714 = arith.constant 0 : index
      %get3A_715 = tpu.vector_load %arg7[%get3A_713, %get3A_714] {strides = array<i32>} : memref<100x16xf32, #tpu.memory_space<vmem>>, vector<16xf32>,
      %add3A_716 = arith.addf %add3A_711, %get3A_715 : vector<16xf32>
      %get3A_717 = arith.constant 30 : i32
      %get3A_718 = arith.index_cast %get3A_717 : i32 to index
      %get3A_719 = arith.constant 0 : index
      %get3A_720 = tpu.vector_load %arg7[%get3A_718, %get3A_719] {strides = array<i32>} : memref<100x16xf32, #tpu.memory_space<vmem>>, vector<16xf32>,
      %add3A_721 = arith.addf %add3A_716, %get3A_720 : vector<16xf32>
      %get3A_722 = arith.constant 31 : i32
      %get3A_723 = arith.index_cast %get3A_722 : i32 to index
      %get3A_724 = arith.constant 0 : index
      %get3A_725 = tpu.vector_load %arg7[%get3A_723, %get3A_724] {strides = array<i32>} : memref<100x16xf32, #tpu.memory_space<vmem>>, vector<16xf32>,
      %add3A_726 = arith.addf %add3A_721, %get3A_725 : vector<16xf32>
      %get3A_727 = arith.constant 32 : i32
      %get3A_728 = arith.index_cast %get3A_727 : i32 to index
      %get3A_729 = arith.constant 0 : index
      %get3A_730 = tpu.vector_load %arg7[%get3A_728, %get3A_729] {strides = array<i32>} : memref<100x16xf32, #tpu.memory_space<vmem>>, vector<16xf32>,
      %add3A_731 = arith.addf %add3A_726, %get3A_730 : vector<16xf32>
      %get3A_732 = arith.constant 33 : i32
      %get3A_733 = arith.index_cast %get3A_732 : i32 to index
      %get3A_734 = arith.constant 0 : index
      %get3A_735 = tpu.vector_load %arg7[%get3A_733, %get3A_734] {strides = array<i32>} : memref<100x16xf32, #tpu.memory_space<vmem>>, vector<16xf32>,
      %add3A_736 = arith.addf %add3A_731, %get3A_735 : vector<16xf32>
      %get3A_737 = arith.constant 34 : i32
      %get3A_738 = arith.index_cast %get3A_737 : i32 to index
      %get3A_739 = arith.constant 0 : index
      %get3A_740 = tpu.vector_load %arg7[%get3A_738, %get3A_739] {strides = array<i32>} : memref<100x16xf32, #tpu.memory_space<vmem>>, vector<16xf32>,
      %add3A_741 = arith.addf %add3A_736, %get3A_740 : vector<16xf32>
      %get3A_742 = arith.constant 35 : i32
      %get3A_743 = arith.index_cast %get3A_742 : i32 to index
      %get3A_744 = arith.constant 0 : index
      %get3A_745 = tpu.vector_load %arg7[%get3A_743, %get3A_744] {strides = array<i32>} : memref<100x16xf32, #tpu.memory_space<vmem>>, vector<16xf32>,
      %add3A_746 = arith.addf %add3A_741, %get3A_745 : vector<16xf32>
      %get3A_747 = arith.constant 36 : i32
      %get3A_748 = arith.index_cast %get3A_747 : i32 to index
      %get3A_749 = arith.constant 0 : index
      %get3A_750 = tpu.vector_load %arg7[%get3A_748, %get3A_749] {strides = array<i32>} : memref<100x16xf32, #tpu.memory_space<vmem>>, vector<16xf32>,
      %add3A_751 = arith.addf %add3A_746, %get3A_750 : vector<16xf32>
      %get3A_752 = arith.constant 37 : i32
      %get3A_753 = arith.index_cast %get3A_752 : i32 to index
      %get3A_754 = arith.constant 0 : index
      %get3A_755 = tpu.vector_load %arg7[%get3A_753, %get3A_754] {strides = array<i32>} : memref<100x16xf32, #tpu.memory_space<vmem>>, vector<16xf32>,
      %add3A_756 = arith.addf %add3A_751, %get3A_755 : vector<16xf32>
      %get3A_757 = arith.constant 38 : i32
      %get3A_758 = arith.index_cast %get3A_757 : i32 to index
      %get3A_759 = arith.constant 0 : index
      %get3A_760 = tpu.vector_load %arg7[%get3A_758, %get3A_759] {strides = array<i32>} : memref<100x16xf32, #tpu.memory_space<vmem>>, vector<16xf32>,
      %add3A_761 = arith.addf %add3A_756, %get3A_760 : vector<16xf32>
      %get3A_762 = arith.constant 39 : i32
      %get3A_763 = arith.index_cast %get3A_762 : i32 to index
      %get3A_764 = arith.constant 0 : index
      %get3A_765 = tpu.vector_load %arg7[%get3A_763, %get3A_764] {strides = array<i32>} : memref<100x16xf32, #tpu.memory_space<vmem>>, vector<16xf32>,
      %add3A_766 = arith.addf %add3A_761, %get3A_765 : vector<16xf32>
      %get3A_767 = arith.constant 40 : i32
      %get3A_768 = arith.index_cast %get3A_767 : i32 to index
      %get3A_769 = arith.constant 0 : index
      %get3A_770 = tpu.vector_load %arg7[%get3A_768, %get3A_769] {strides = array<i32>} : memref<100x16xf32, #tpu.memory_space<vmem>>, vector<16xf32>,
      %add3A_771 = arith.addf %add3A_766, %get3A_770 : vector<16xf32>
      %get3A_772 = arith.constant 41 : i32
      %get3A_773 = arith.index_cast %get3A_772 : i32 to index
      %get3A_774 = arith.constant 0 : index
      %get3A_775 = tpu.vector_load %arg7[%get3A_773, %get3A_774] {strides = array<i32>} : memref<100x16xf32, #tpu.memory_space<vmem>>, vector<16xf32>,
      %add3A_776 = arith.addf %add3A_771, %get3A_775 : vector<16xf32>
      %get3A_777 = arith.constant 42 : i32
      %get3A_778 = arith.index_cast %get3A_777 : i32 to index
      %get3A_779 = arith.constant 0 : index
      %get3A_780 = tpu.vector_load %arg7[%get3A_778, %get3A_779] {strides = array<i32>} : memref<100x16xf32, #tpu.memory_space<vmem>>, vector<16xf32>,
      %add3A_781 = arith.addf %add3A_776, %get3A_780 : vector<16xf32>
      %get3A_782 = arith.constant 43 : i32
      %get3A_783 = arith.index_cast %get3A_782 : i32 to index
      %get3A_784 = arith.constant 0 : index
      %get3A_785 = tpu.vector_load %arg7[%get3A_783, %get3A_784] {strides = array<i32>} : memref<100x16xf32, #tpu.memory_space<vmem>>, vector<16xf32>,
      %add3A_786 = arith.addf %add3A_781, %get3A_785 : vector<16xf32>
      %get3A_787 = arith.constant 44 : i32
      %get3A_788 = arith.index_cast %get3A_787 : i32 to index
      %get3A_789 = arith.constant 0 : index
      %get3A_790 = tpu.vector_load %arg7[%get3A_788, %get3A_789] {strides = array<i32>} : memref<100x16xf32, #tpu.memory_space<vmem>>, vector<16xf32>,
      %add3A_791 = arith.addf %add3A_786, %get3A_790 : vector<16xf32>
      %get3A_792 = arith.constant 45 : i32
      %get3A_793 = arith.index_cast %get3A_792 : i32 to index
      %get3A_794 = arith.constant 0 : index
      %get3A_795 = tpu.vector_load %arg7[%get3A_793, %get3A_794] {strides = array<i32>} : memref<100x16xf32, #tpu.memory_space<vmem>>, vector<16xf32>,
      %add3A_796 = arith.addf %add3A_791, %get3A_795 : vector<16xf32>
      %get3A_797 = arith.constant 46 : i32
      %get3A_798 = arith.index_cast %get3A_797 : i32 to index
      %get3A_799 = arith.constant 0 : index
      %get3A_800 = tpu.vector_load %arg7[%get3A_798, %get3A_799] {strides = array<i32>} : memref<100x16xf32, #tpu.memory_space<vmem>>, vector<16xf32>,
      %add3A_801 = arith.addf %add3A_796, %get3A_800 : vector<16xf32>
      %get3A_802 = arith.constant 47 : i32
      %get3A_803 = arith.index_cast %get3A_802 : i32 to index
      %get3A_804 = arith.constant 0 : index
      %get3A_805 = tpu.vector_load %arg7[%get3A_803, %get3A_804] {strides = array<i32>} : memref<100x16xf32, #tpu.memory_space<vmem>>, vector<16xf32>,
      %add3A_806 = arith.addf %add3A_801, %get3A_805 : vector<16xf32>
      %get3A_807 = arith.constant 48 : i32
      %get3A_808 = arith.index_cast %get3A_807 : i32 to index
      %get3A_809 = arith.constant 0 : index
      %get3A_810 = tpu.vector_load %arg7[%get3A_808, %get3A_809] {strides = array<i32>} : memref<100x16xf32, #tpu.memory_space<vmem>>, vector<16xf32>,
      %add3A_811 = arith.addf %add3A_806, %get3A_810 : vector<16xf32>
      %get3A_812 = arith.constant 49 : i32
      %get3A_813 = arith.index_cast %get3A_812 : i32 to index
      %get3A_814 = arith.constant 0 : index
      %get3A_815 = tpu.vector_load %arg7[%get3A_813, %get3A_814] {strides = array<i32>} : memref<100x16xf32, #tpu.memory_space<vmem>>, vector<16xf32>,
      %add3A_816 = arith.addf %add3A_811, %get3A_815 : vector<16xf32>
      %mul3A_817 = arith.constant 2.000000e-02 : f32
      %mul3A_818 = vector.broadcast %mul3A_817 : f32 to vector<16xf32>
      %mul3A_819 = arith.mulf %add3A_816, %mul3A_818 : vector<16xf32>
      %mul3A_820 = arith.constant 2 : i32
      %mul3A_821 = arith.muli %add3A_564, %mul3A_820 : i32
      %add3A_822 = arith.constant 0 : i32
      %add3A_823 = arith.addi %mul3A_821, %add3A_822 : i32
      %swap3A_824 = arith.index_cast %add3A_823 : i32 to index
      %swap3A_825 = arith.constant 0 : index
      %swap3A_826 = tpu.vector_load %arg8[%swap3A_824, %swap3A_825] {strides = array<i32>} : memref<128x16xf32, #tpu.memory_space<vmem>>, vector<16xf32>,
      tpu.vector_store %arg8[%swap3A_824, %swap3A_825], %mul3A_819 {strides = array<i32>} : memref<128x16xf32, #tpu.memory_space<vmem>>, vector<16xf32>,
      %broadcast_in_dim3A_827 = arith.constant 0.000000e+00 : f32
      %broadcast_in_dim3A_828 = vector.broadcast %broadcast_in_dim3A_827 : f32 to vector<16xf32>
      %get3A_829 = arith.constant 50 : i32
      %get3A_830 = arith.index_cast %get3A_829 : i32 to index
      %get3A_831 = arith.constant 0 : index
      %get3A_832 = tpu.vector_load %arg7[%get3A_830, %get3A_831] {strides = array<i32>} : memref<100x16xf32, #tpu.memory_space<vmem>>, vector<16xf32>,
      %add3A_833 = arith.addf %broadcast_in_dim3A_828, %get3A_832 : vector<16xf32>
      %get3A_834 = arith.constant 51 : i32
      %get3A_835 = arith.index_cast %get3A_834 : i32 to index
      %get3A_836 = arith.constant 0 : index
      %get3A_837 = tpu.vector_load %arg7[%get3A_835, %get3A_836] {strides = array<i32>} : memref<100x16xf32, #tpu.memory_space<vmem>>, vector<16xf32>,
      %add3A_838 = arith.addf %add3A_833, %get3A_837 : vector<16xf32>
      %get3A_839 = arith.constant 52 : i32
      %get3A_840 = arith.index_cast %get3A_839 : i32 to index
      %get3A_841 = arith.constant 0 : index
      %get3A_842 = tpu.vector_load %arg7[%get3A_840, %get3A_841] {strides = array<i32>} : memref<100x16xf32, #tpu.memory_space<vmem>>, vector<16xf32>,
      %add3A_843 = arith.addf %add3A_838, %get3A_842 : vector<16xf32>
      %get3A_844 = arith.constant 53 : i32
      %get3A_845 = arith.index_cast %get3A_844 : i32 to index
      %get3A_846 = arith.constant 0 : index
      %get3A_847 = tpu.vector_load %arg7[%get3A_845, %get3A_846] {strides = array<i32>} : memref<100x16xf32, #tpu.memory_space<vmem>>, vector<16xf32>,
      %add3A_848 = arith.addf %add3A_843, %get3A_847 : vector<16xf32>
      %get3A_849 = arith.constant 54 : i32
      %get3A_850 = arith.index_cast %get3A_849 : i32 to index
      %get3A_851 = arith.constant 0 : index
      %get3A_852 = tpu.vector_load %arg7[%get3A_850, %get3A_851] {strides = array<i32>} : memref<100x16xf32, #tpu.memory_space<vmem>>, vector<16xf32>,
      %add3A_853 = arith.addf %add3A_848, %get3A_852 : vector<16xf32>
      %get3A_854 = arith.constant 55 : i32
      %get3A_855 = arith.index_cast %get3A_854 : i32 to index
      %get3A_856 = arith.constant 0 : index
      %get3A_857 = tpu.vector_load %arg7[%get3A_855, %get3A_856] {strides = array<i32>} : memref<100x16xf32, #tpu.memory_space<vmem>>, vector<16xf32>,
      %add3A_858 = arith.addf %add3A_853, %get3A_857 : vector<16xf32>
      %get3A_859 = arith.constant 56 : i32
      %get3A_860 = arith.index_cast %get3A_859 : i32 to index
      %get3A_861 = arith.constant 0 : index
      %get3A_862 = tpu.vector_load %arg7[%get3A_860, %get3A_861] {strides = array<i32>} : memref<100x16xf32, #tpu.memory_space<vmem>>, vector<16xf32>,
      %add3A_863 = arith.addf %add3A_858, %get3A_862 : vector<16xf32>
      %get3A_864 = arith.constant 57 : i32
      %get3A_865 = arith.index_cast %get3A_864 : i32 to index
      %get3A_866 = arith.constant 0 : index
      %get3A_867 = tpu.vector_load %arg7[%get3A_865, %get3A_866] {strides = array<i32>} : memref<100x16xf32, #tpu.memory_space<vmem>>, vector<16xf32>,
      %add3A_868 = arith.addf %add3A_863, %get3A_867 : vector<16xf32>
      %get3A_869 = arith.constant 58 : i32
      %get3A_870 = arith.index_cast %get3A_869 : i32 to index
      %get3A_871 = arith.constant 0 : index
      %get3A_872 = tpu.vector_load %arg7[%get3A_870, %get3A_871] {strides = array<i32>} : memref<100x16xf32, #tpu.memory_space<vmem>>, vector<16xf32>,
      %add3A_873 = arith.addf %add3A_868, %get3A_872 : vector<16xf32>
      %get3A_874 = arith.constant 59 : i32
      %get3A_875 = arith.index_cast %get3A_874 : i32 to index
      %get3A_876 = arith.constant 0 : index
      %get3A_877 = tpu.vector_load %arg7[%get3A_875, %get3A_876] {strides = array<i32>} : memref<100x16xf32, #tpu.memory_space<vmem>>, vector<16xf32>,
      %add3A_878 = arith.addf %add3A_873, %get3A_877 : vector<16xf32>
      %get3A_879 = arith.constant 60 : i32
      %get3A_880 = arith.index_cast %get3A_879 : i32 to index
      %get3A_881 = arith.constant 0 : index
      %get3A_882 = tpu.vector_load %arg7[%get3A_880, %get3A_881] {strides = array<i32>} : memref<100x16xf32, #tpu.memory_space<vmem>>, vector<16xf32>,
      %add3A_883 = arith.addf %add3A_878, %get3A_882 : vector<16xf32>
      %get3A_884 = arith.constant 61 : i32
      %get3A_885 = arith.index_cast %get3A_884 : i32 to index
      %get3A_886 = arith.constant 0 : index
      %get3A_887 = tpu.vector_load %arg7[%get3A_885, %get3A_886] {strides = array<i32>} : memref<100x16xf32, #tpu.memory_space<vmem>>, vector<16xf32>,
      %add3A_888 = arith.addf %add3A_883, %get3A_887 : vector<16xf32>
      %get3A_889 = arith.constant 62 : i32
      %get3A_890 = arith.index_cast %get3A_889 : i32 to index
      %get3A_891 = arith.constant 0 : index
      %get3A_892 = tpu.vector_load %arg7[%get3A_890, %get3A_891] {strides = array<i32>} : memref<100x16xf32, #tpu.memory_space<vmem>>, vector<16xf32>,
      %add3A_893 = arith.addf %add3A_888, %get3A_892 : vector<16xf32>
      %get3A_894 = arith.constant 63 : i32
      %get3A_895 = arith.index_cast %get3A_894 : i32 to index
      %get3A_896 = arith.constant 0 : index
      %get3A_897 = tpu.vector_load %arg7[%get3A_895, %get3A_896] {strides = array<i32>} : memref<100x16xf32, #tpu.memory_space<vmem>>, vector<16xf32>,
      %add3A_898 = arith.addf %add3A_893, %get3A_897 : vector<16xf32>
      %get3A_899 = arith.constant 64 : i32
      %get3A_900 = arith.index_cast %get3A_899 : i32 to index
      %get3A_901 = arith.constant 0 : index
      %get3A_902 = tpu.vector_load %arg7[%get3A_900, %get3A_901] {strides = array<i32>} : memref<100x16xf32, #tpu.memory_space<vmem>>, vector<16xf32>,
      %add3A_903 = arith.addf %add3A_898, %get3A_902 : vector<16xf32>
      %get3A_904 = arith.constant 65 : i32
      %get3A_905 = arith.index_cast %get3A_904 : i32 to index
      %get3A_906 = arith.constant 0 : index
      %get3A_907 = tpu.vector_load %arg7[%get3A_905, %get3A_906] {strides = array<i32>} : memref<100x16xf32, #tpu.memory_space<vmem>>, vector<16xf32>,
      %add3A_908 = arith.addf %add3A_903, %get3A_907 : vector<16xf32>
      %get3A_909 = arith.constant 66 : i32
      %get3A_910 = arith.index_cast %get3A_909 : i32 to index
      %get3A_911 = arith.constant 0 : index
      %get3A_912 = tpu.vector_load %arg7[%get3A_910, %get3A_911] {strides = array<i32>} : memref<100x16xf32, #tpu.memory_space<vmem>>, vector<16xf32>,
      %add3A_913 = arith.addf %add3A_908, %get3A_912 : vector<16xf32>
      %get3A_914 = arith.constant 67 : i32
      %get3A_915 = arith.index_cast %get3A_914 : i32 to index
      %get3A_916 = arith.constant 0 : index
      %get3A_917 = tpu.vector_load %arg7[%get3A_915, %get3A_916] {strides = array<i32>} : memref<100x16xf32, #tpu.memory_space<vmem>>, vector<16xf32>,
      %add3A_918 = arith.addf %add3A_913, %get3A_917 : vector<16xf32>
      %get3A_919 = arith.constant 68 : i32
      %get3A_920 = arith.index_cast %get3A_919 : i32 to index
      %get3A_921 = arith.constant 0 : index
      %get3A_922 = tpu.vector_load %arg7[%get3A_920, %get3A_921] {strides = array<i32>} : memref<100x16xf32, #tpu.memory_space<vmem>>, vector<16xf32>,
      %add3A_923 = arith.addf %add3A_918, %get3A_922 : vector<16xf32>
      %get3A_924 = arith.constant 69 : i32
      %get3A_925 = arith.index_cast %get3A_924 : i32 to index
      %get3A_926 = arith.constant 0 : index
      %get3A_927 = tpu.vector_load %arg7[%get3A_925, %get3A_926] {strides = array<i32>} : memref<100x16xf32, #tpu.memory_space<vmem>>, vector<16xf32>,
      %add3A_928 = arith.addf %add3A_923, %get3A_927 : vector<16xf32>
      %get3A_929 = arith.constant 70 : i32
      %get3A_930 = arith.index_cast %get3A_929 : i32 to index
      %get3A_931 = arith.constant 0 : index
      %get3A_932 = tpu.vector_load %arg7[%get3A_930, %get3A_931] {strides = array<i32>} : memref<100x16xf32, #tpu.memory_space<vmem>>, vector<16xf32>,
      %add3A_933 = arith.addf %add3A_928, %get3A_932 : vector<16xf32>
      %get3A_934 = arith.constant 71 : i32
      %get3A_935 = arith.index_cast %get3A_934 : i32 to index
      %get3A_936 = arith.constant 0 : index
      %get3A_937 = tpu.vector_load %arg7[%get3A_935, %get3A_936] {strides = array<i32>} : memref<100x16xf32, #tpu.memory_space<vmem>>, vector<16xf32>,
      %add3A_938 = arith.addf %add3A_933, %get3A_937 : vector<16xf32>
      %get3A_939 = arith.constant 72 : i32
      %get3A_940 = arith.index_cast %get3A_939 : i32 to index
      %get3A_941 = arith.constant 0 : index
      %get3A_942 = tpu.vector_load %arg7[%get3A_940, %get3A_941] {strides = array<i32>} : memref<100x16xf32, #tpu.memory_space<vmem>>, vector<16xf32>,
      %add3A_943 = arith.addf %add3A_938, %get3A_942 : vector<16xf32>
      %get3A_944 = arith.constant 73 : i32
      %get3A_945 = arith.index_cast %get3A_944 : i32 to index
      %get3A_946 = arith.constant 0 : index
      %get3A_947 = tpu.vector_load %arg7[%get3A_945, %get3A_946] {strides = array<i32>} : memref<100x16xf32, #tpu.memory_space<vmem>>, vector<16xf32>,
      %add3A_948 = arith.addf %add3A_943, %get3A_947 : vector<16xf32>
      %get3A_949 = arith.constant 74 : i32
      %get3A_950 = arith.index_cast %get3A_949 : i32 to index
      %get3A_951 = arith.constant 0 : index
      %get3A_952 = tpu.vector_load %arg7[%get3A_950, %get3A_951] {strides = array<i32>} : memref<100x16xf32, #tpu.memory_space<vmem>>, vector<16xf32>,
      %add3A_953 = arith.addf %add3A_948, %get3A_952 : vector<16xf32>
      %get3A_954 = arith.constant 75 : i32
      %get3A_955 = arith.index_cast %get3A_954 : i32 to index
      %get3A_956 = arith.constant 0 : index
      %get3A_957 = tpu.vector_load %arg7[%get3A_955, %get3A_956] {strides = array<i32>} : memref<100x16xf32, #tpu.memory_space<vmem>>, vector<16xf32>,
      %add3A_958 = arith.addf %add3A_953, %get3A_957 : vector<16xf32>
      %get3A_959 = arith.constant 76 : i32
      %get3A_960 = arith.index_cast %get3A_959 : i32 to index
      %get3A_961 = arith.constant 0 : index
      %get3A_962 = tpu.vector_load %arg7[%get3A_960, %get3A_961] {strides = array<i32>} : memref<100x16xf32, #tpu.memory_space<vmem>>, vector<16xf32>,
      %add3A_963 = arith.addf %add3A_958, %get3A_962 : vector<16xf32>
      %get3A_964 = arith.constant 77 : i32
      %get3A_965 = arith.index_cast %get3A_964 : i32 to index
      %get3A_966 = arith.constant 0 : index
      %get3A_967 = tpu.vector_load %arg7[%get3A_965, %get3A_966] {strides = array<i32>} : memref<100x16xf32, #tpu.memory_space<vmem>>, vector<16xf32>,
      %add3A_968 = arith.addf %add3A_963, %get3A_967 : vector<16xf32>
      %get3A_969 = arith.constant 78 : i32
      %get3A_970 = arith.index_cast %get3A_969 : i32 to index
      %get3A_971 = arith.constant 0 : index
      %get3A_972 = tpu.vector_load %arg7[%get3A_970, %get3A_971] {strides = array<i32>} : memref<100x16xf32, #tpu.memory_space<vmem>>, vector<16xf32>,
      %add3A_973 = arith.addf %add3A_968, %get3A_972 : vector<16xf32>
      %get3A_974 = arith.constant 79 : i32
      %get3A_975 = arith.index_cast %get3A_974 : i32 to index
      %get3A_976 = arith.constant 0 : index
      %get3A_977 = tpu.vector_load %arg7[%get3A_975, %get3A_976] {strides = array<i32>} : memref<100x16xf32, #tpu.memory_space<vmem>>, vector<16xf32>,
      %add3A_978 = arith.addf %add3A_973, %get3A_977 : vector<16xf32>
      %get3A_979 = arith.constant 80 : i32
      %get3A_980 = arith.index_cast %get3A_979 : i32 to index
      %get3A_981 = arith.constant 0 : index
      %get3A_982 = tpu.vector_load %arg7[%get3A_980, %get3A_981] {strides = array<i32>} : memref<100x16xf32, #tpu.memory_space<vmem>>, vector<16xf32>,
      %add3A_983 = arith.addf %add3A_978, %get3A_982 : vector<16xf32>
      %get3A_984 = arith.constant 81 : i32
      %get3A_985 = arith.index_cast %get3A_984 : i32 to index
      %get3A_986 = arith.constant 0 : index
      %get3A_987 = tpu.vector_load %arg7[%get3A_985, %get3A_986] {strides = array<i32>} : memref<100x16xf32, #tpu.memory_space<vmem>>, vector<16xf32>,
      %add3A_988 = arith.addf %add3A_983, %get3A_987 : vector<16xf32>
      %get3A_989 = arith.constant 82 : i32
      %get3A_990 = arith.index_cast %get3A_989 : i32 to index
      %get3A_991 = arith.constant 0 : index
      %get3A_992 = tpu.vector_load %arg7[%get3A_990, %get3A_991] {strides = array<i32>} : memref<100x16xf32, #tpu.memory_space<vmem>>, vector<16xf32>,
      %add3A_993 = arith.addf %add3A_988, %get3A_992 : vector<16xf32>
      %get3A_994 = arith.constant 83 : i32
      %get3A_995 = arith.index_cast %get3A_994 : i32 to index
      %get3A_996 = arith.constant 0 : index
      %get3A_997 = tpu.vector_load %arg7[%get3A_995, %get3A_996] {strides = array<i32>} : memref<100x16xf32, #tpu.memory_space<vmem>>, vector<16xf32>,
      %add3A_998 = arith.addf %add3A_993, %get3A_997 : vector<16xf32>
      %get3A_999 = arith.constant 84 : i32
      %get3A_1000 = arith.index_cast %get3A_999 : i32 to index
      %get3A_1001 = arith.constant 0 : index
      %get3A_1002 = tpu.vector_load %arg7[%get3A_1000, %get3A_1001] {strides = array<i32>} : memref<100x16xf32, #tpu.memory_space<vmem>>, vector<16xf32>,
      %add3A_1003 = arith.addf %add3A_998, %get3A_1002 : vector<16xf32>
      %get3A_1004 = arith.constant 85 : i32
      %get3A_1005 = arith.index_cast %get3A_1004 : i32 to index
      %get3A_1006 = arith.constant 0 : index
      %get3A_1007 = tpu.vector_load %arg7[%get3A_1005, %get3A_1006] {strides = array<i32>} : memref<100x16xf32, #tpu.memory_space<vmem>>, vector<16xf32>,
      %add3A_1008 = arith.addf %add3A_1003, %get3A_1007 : vector<16xf32>
      %get3A_1009 = arith.constant 86 : i32
      %get3A_1010 = arith.index_cast %get3A_1009 : i32 to index
      %get3A_1011 = arith.constant 0 : index
      %get3A_1012 = tpu.vector_load %arg7[%get3A_1010, %get3A_1011] {strides = array<i32>} : memref<100x16xf32, #tpu.memory_space<vmem>>, vector<16xf32>,
      %add3A_1013 = arith.addf %add3A_1008, %get3A_1012 : vector<16xf32>
      %get3A_1014 = arith.constant 87 : i32
      %get3A_1015 = arith.index_cast %get3A_1014 : i32 to index
      %get3A_1016 = arith.constant 0 : index
      %get3A_1017 = tpu.vector_load %arg7[%get3A_1015, %get3A_1016] {strides = array<i32>} : memref<100x16xf32, #tpu.memory_space<vmem>>, vector<16xf32>,
      %add3A_1018 = arith.addf %add3A_1013, %get3A_1017 : vector<16xf32>
      %get3A_1019 = arith.constant 88 : i32
      %get3A_1020 = arith.index_cast %get3A_1019 : i32 to index
      %get3A_1021 = arith.constant 0 : index
      %get3A_1022 = tpu.vector_load %arg7[%get3A_1020, %get3A_1021] {strides = array<i32>} : memref<100x16xf32, #tpu.memory_space<vmem>>, vector<16xf32>,
      %add3A_1023 = arith.addf %add3A_1018, %get3A_1022 : vector<16xf32>
      %get3A_1024 = arith.constant 89 : i32
      %get3A_1025 = arith.index_cast %get3A_1024 : i32 to index
      %get3A_1026 = arith.constant 0 : index
      %get3A_1027 = tpu.vector_load %arg7[%get3A_1025, %get3A_1026] {strides = array<i32>} : memref<100x16xf32, #tpu.memory_space<vmem>>, vector<16xf32>,
      %add3A_1028 = arith.addf %add3A_1023, %get3A_1027 : vector<16xf32>
      %get3A_1029 = arith.constant 90 : i32
      %get3A_1030 = arith.index_cast %get3A_1029 : i32 to index
      %get3A_1031 = arith.constant 0 : index
      %get3A_1032 = tpu.vector_load %arg7[%get3A_1030, %get3A_1031] {strides = array<i32>} : memref<100x16xf32, #tpu.memory_space<vmem>>, vector<16xf32>,
      %add3A_1033 = arith.addf %add3A_1028, %get3A_1032 : vector<16xf32>
      %get3A_1034 = arith.constant 91 : i32
      %get3A_1035 = arith.index_cast %get3A_1034 : i32 to index
      %get3A_1036 = arith.constant 0 : index
      %get3A_1037 = tpu.vector_load %arg7[%get3A_1035, %get3A_1036] {strides = array<i32>} : memref<100x16xf32, #tpu.memory_space<vmem>>, vector<16xf32>,
      %add3A_1038 = arith.addf %add3A_1033, %get3A_1037 : vector<16xf32>
      %get3A_1039 = arith.constant 92 : i32
      %get3A_1040 = arith.index_cast %get3A_1039 : i32 to index
      %get3A_1041 = arith.constant 0 : index
      %get3A_1042 = tpu.vector_load %arg7[%get3A_1040, %get3A_1041] {strides = array<i32>} : memref<100x16xf32, #tpu.memory_space<vmem>>, vector<16xf32>,
      %add3A_1043 = arith.addf %add3A_1038, %get3A_1042 : vector<16xf32>
      %get3A_1044 = arith.constant 93 : i32
      %get3A_1045 = arith.index_cast %get3A_1044 : i32 to index
      %get3A_1046 = arith.constant 0 : index
      %get3A_1047 = tpu.vector_load %arg7[%get3A_1045, %get3A_1046] {strides = array<i32>} : memref<100x16xf32, #tpu.memory_space<vmem>>, vector<16xf32>,
      %add3A_1048 = arith.addf %add3A_1043, %get3A_1047 : vector<16xf32>
      %get3A_1049 = arith.constant 94 : i32
      %get3A_1050 = arith.index_cast %get3A_1049 : i32 to index
      %get3A_1051 = arith.constant 0 : index
      %get3A_1052 = tpu.vector_load %arg7[%get3A_1050, %get3A_1051] {strides = array<i32>} : memref<100x16xf32, #tpu.memory_space<vmem>>, vector<16xf32>,
      %add3A_1053 = arith.addf %add3A_1048, %get3A_1052 : vector<16xf32>
      %get3A_1054 = arith.constant 95 : i32
      %get3A_1055 = arith.index_cast %get3A_1054 : i32 to index
      %get3A_1056 = arith.constant 0 : index
      %get3A_1057 = tpu.vector_load %arg7[%get3A_1055, %get3A_1056] {strides = array<i32>} : memref<100x16xf32, #tpu.memory_space<vmem>>, vector<16xf32>,
      %add3A_1058 = arith.addf %add3A_1053, %get3A_1057 : vector<16xf32>
      %get3A_1059 = arith.constant 96 : i32
      %get3A_1060 = arith.index_cast %get3A_1059 : i32 to index
      %get3A_1061 = arith.constant 0 : index
      %get3A_1062 = tpu.vector_load %arg7[%get3A_1060, %get3A_1061] {strides = array<i32>} : memref<100x16xf32, #tpu.memory_space<vmem>>, vector<16xf32>,
      %add3A_1063 = arith.addf %add3A_1058, %get3A_1062 : vector<16xf32>
      %get3A_1064 = arith.constant 97 : i32
      %get3A_1065 = arith.index_cast %get3A_1064 : i32 to index
      %get3A_1066 = arith.constant 0 : index
      %get3A_1067 = tpu.vector_load %arg7[%get3A_1065, %get3A_1066] {strides = array<i32>} : memref<100x16xf32, #tpu.memory_space<vmem>>, vector<16xf32>,
      %add3A_1068 = arith.addf %add3A_1063, %get3A_1067 : vector<16xf32>
      %get3A_1069 = arith.constant 98 : i32
      %get3A_1070 = arith.index_cast %get3A_1069 : i32 to index
      %get3A_1071 = arith.constant 0 : index
      %get3A_1072 = tpu.vector_load %arg7[%get3A_1070, %get3A_1071] {strides = array<i32>} : memref<100x16xf32, #tpu.memory_space<vmem>>, vector<16xf32>,
      %add3A_1073 = arith.addf %add3A_1068, %get3A_1072 : vector<16xf32>
      %get3A_1074 = arith.constant 99 : i32
      %get3A_1075 = arith.index_cast %get3A_1074 : i32 to index
      %get3A_1076 = arith.constant 0 : index
      %get3A_1077 = tpu.vector_load %arg7[%get3A_1075, %get3A_1076] {strides = array<i32>} : memref<100x16xf32, #tpu.memory_space<vmem>>, vector<16xf32>,
      %add3A_1078 = arith.addf %add3A_1073, %get3A_1077 : vector<16xf32>
      %mul3A_1079 = arith.constant 2.000000e-02 : f32
      %mul3A_1080 = vector.broadcast %mul3A_1079 : f32 to vector<16xf32>
      %mul3A_1081 = arith.mulf %add3A_1078, %mul3A_1080 : vector<16xf32>
      %mul3A_1082 = arith.constant 2 : i32
      %mul3A_1083 = arith.muli %add3A_564, %mul3A_1082 : i32
      %add3A_1084 = arith.constant 1 : i32
      %add3A_1085 = arith.addi %mul3A_1083, %add3A_1084 : i32
      %swap3A_1086 = arith.index_cast %add3A_1085 : i32 to index
      %swap3A_1087 = arith.constant 0 : index
      %swap3A_1088 = tpu.vector_load %arg8[%swap3A_1086, %swap3A_1087] {strides = array<i32>} : memref<128x16xf32, #tpu.memory_space<vmem>>, vector<16xf32>,
      tpu.vector_store %arg8[%swap3A_1086, %swap3A_1087], %mul3A_1081 {strides = array<i32>} : memref<128x16xf32, #tpu.memory_space<vmem>>, vector<16xf32>,
    }
    %scan3A_13 = arith.constant 32 : i32
    %mul3A_14 = arith.constant 128 : i32
    %mul3A_15 = arith.muli %add3A, %mul3A_14 : i32
    "tpu.region"() ({
      %run_scoped3A = tpu.sem_alloc : memref<!tpu.dma_semaphore, #tpu.memory_space<semaphore_mem>>
      %dma_start3A_16 = arith.constant 0 : i32
      %dma_start3A_17 = tpu.memref_slice %arg4[%mul3A_15, %dma_start3A_16] : memref<4096x16xf32, #tpu.memory_space<hbm>> -> memref<128x16xf32, #tpu.memory_space<hbm>>
      %dma_start3A_18 = arith.constant 0 : i32
      %dma_start3A_19 = tpu.memref_slice %arg4[%mul3A_15, %dma_start3A_18] : memref<4096x16xf32, #tpu.memory_space<hbm>> -> memref<128x16xf32, #tpu.memory_space<hbm>>
      tpu.enqueue_dma source(%arg8 : memref<128x16xf32, #tpu.memory_space<vmem>>) target(%dma_start3A_19 : memref<128x16xf32, #tpu.memory_space<hbm>>) target_semaphore(%run_scoped3A : memref<!tpu.dma_semaphore, #tpu.memory_space<semaphore_mem>>)
      %dma_wait3A = arith.constant 0 : i32
      %dma_wait3A_20 = tpu.memref_slice %arg4[%mul3A_15, %dma_wait3A] : memref<4096x16xf32, #tpu.memory_space<hbm>> -> memref<128x16xf32, #tpu.memory_space<hbm>>
      %dma_wait3A_21 = arith.constant 0 : i32
      %dma_wait3A_22 = tpu.memref_slice %arg4[%mul3A_15, %dma_wait3A_21] : memref<4096x16xf32, #tpu.memory_space<hbm>> -> memref<128x16xf32, #tpu.memory_space<hbm>>
      tpu.wait_dma2 semaphore(%run_scoped3A : memref<!tpu.dma_semaphore, #tpu.memory_space<semaphore_mem>>) src(%arg8 : memref<128x16xf32, #tpu.memory_space<vmem>>) dst(%dma_wait3A_22 : memref<128x16xf32, #tpu.memory_space<hbm>>)
      tpu.yield
    }) : () -> ()
    return
  }
}

module attributes {stable_mosaic.version = 14 : i64} {
  func.func @_prj_body(%arg0: i32, %arg1: memref<64x4096xf32, #tpu.memory_space<vmem>>, %arg2: memref<64x4096xf32, #tpu.memory_space<vmem>>, %arg3: memref<64x4096xf32, #tpu.memory_space<vmem>>, %arg4: memref<64x4096xf32, #tpu.memory_space<vmem>>, %arg5: memref<64x4096xf32, #tpu.memory_space<vmem>>, %arg6: memref<64x4096xf32, #tpu.memory_space<vmem>>, %arg7: memref<64x4096xf32, #tpu.memory_space<vmem>>, %arg8: memref<64x4096xf32, #tpu.memory_space<vmem>>, %arg9: memref<256x64xf32, #tpu.memory_space<vmem>>, %arg10: memref<10x256xf32, #tpu.memory_space<vmem>>, %arg11: memref<4096x128xf32, #tpu.memory_space<vmem>>) attributes {dimension_semantics = [#tpu.dimension_semantics<arbitrary>], iteration_bounds = array<i64: 31>, scalar_prefetch = 0 : i64, scratch_operands = 0 : i64, tpu.core_type = #tpu.core_type<tc>, window_params = [{transform_indices = @transform_0, window_bounds = array<i64: 64, 4096>}, {transform_indices = @transform_1, window_bounds = array<i64: 64, 4096>}, {transform_indices = @transform_2, window_bounds = array<i64: 64, 4096>}, {transform_indices = @transform_3, window_bounds = array<i64: 64, 4096>}, {transform_indices = @transform_4, window_bounds = array<i64: 64, 4096>}, {transform_indices = @transform_5, window_bounds = array<i64: 64, 4096>}, {transform_indices = @transform_6, window_bounds = array<i64: 64, 4096>}, {transform_indices = @transform_7, window_bounds = array<i64: 64, 4096>}, {pipeline_mode = #tpu.pipeline_mode<synchronous>, transform_indices = @transform_8, window_bounds = array<i64: 256, 64>}, {pipeline_mode = #tpu.pipeline_mode<synchronous>, transform_indices = @transform_9, window_bounds = array<i64: 10, 256>}, {transform_indices = @transform_10, window_bounds = array<i64: 4096, 128>}]} {
    %get3A = arith.constant 0 : index
    %get3A_0 = arith.constant 0 : index
    %get3A_1 = vector.load %arg10[%get3A, %get3A_0] : memref<10x256xf32, #tpu.memory_space<vmem>>, vector<10x256xf32>
    %get3A_2 = arith.constant 0 : index
    %get3A_3 = arith.constant 0 : index
    %get3A_4 = vector.load %arg9[%get3A_2, %get3A_3] : memref<256x64xf32, #tpu.memory_space<vmem>>, vector<256x64xf32>
    %dot_general3A = arith.constant dense<0.000000e+00> : vector<10x64xf32>
    %dot_general3A_5 = tpu.matmul %get3A_1, %get3A_4, %dot_general3A {dimension_numbers = #tpu.dot_dimension_numbers<[1], [0], [0], [1], [0, 0, 1, 1], [], []>, transpose_lhs_hint = false} : vector<10x256xf32>, vector<256x64xf32>, vector<10x64xf32> -> vector<10x64xf32>
    %jit3A = arith.constant 0 : i32
    %convert_element_type3A = arith.sitofp %jit3A : i32 to f32
    %pad3A = vector.broadcast %convert_element_type3A : f32 to vector<6x64xf32>
    %pad3A_6 = tpu.concatenate %dot_general3A_5, %pad3A in 0 : vector<10x64xf32>, vector<6x64xf32> -> vector<16x64xf32>
    %transpose3A = tpu.transpose %pad3A_6, [1, 0] : vector<16x64xf32> -> vector<64x16xf32>
    %get3A_7 = arith.constant 0 : index
    %get3A_8 = arith.constant 0 : index
    %get3A_9 = vector.load %arg1[%get3A_7, %get3A_8] : memref<64x4096xf32, #tpu.memory_space<vmem>>, vector<64x4096xf32>
    %get3A_10 = arith.constant 0 : index
    %get3A_11 = arith.constant 0 : index
    %get3A_12 = vector.load %arg2[%get3A_10, %get3A_11] : memref<64x4096xf32, #tpu.memory_space<vmem>>, vector<64x4096xf32>
    %get3A_13 = arith.constant 0 : index
    %get3A_14 = arith.constant 0 : index
    %get3A_15 = vector.load %arg3[%get3A_13, %get3A_14] : memref<64x4096xf32, #tpu.memory_space<vmem>>, vector<64x4096xf32>
    %get3A_16 = arith.constant 0 : index
    %get3A_17 = arith.constant 0 : index
    %get3A_18 = vector.load %arg4[%get3A_16, %get3A_17] : memref<64x4096xf32, #tpu.memory_space<vmem>>, vector<64x4096xf32>
    %get3A_19 = arith.constant 0 : index
    %get3A_20 = arith.constant 0 : index
    %get3A_21 = vector.load %arg5[%get3A_19, %get3A_20] : memref<64x4096xf32, #tpu.memory_space<vmem>>, vector<64x4096xf32>
    %get3A_22 = arith.constant 0 : index
    %get3A_23 = arith.constant 0 : index
    %get3A_24 = vector.load %arg6[%get3A_22, %get3A_23] : memref<64x4096xf32, #tpu.memory_space<vmem>>, vector<64x4096xf32>
    %get3A_25 = arith.constant 0 : index
    %get3A_26 = arith.constant 0 : index
    %get3A_27 = vector.load %arg7[%get3A_25, %get3A_26] : memref<64x4096xf32, #tpu.memory_space<vmem>>, vector<64x4096xf32>
    %get3A_28 = arith.constant 0 : index
    %get3A_29 = arith.constant 0 : index
    %get3A_30 = vector.load %arg8[%get3A_28, %get3A_29] : memref<64x4096xf32, #tpu.memory_space<vmem>>, vector<64x4096xf32>
    %concatenate3A = tpu.concatenate %get3A_9, %get3A_12, %get3A_15, %get3A_18, %get3A_21, %get3A_24, %get3A_27, %get3A_30 in 0 : vector<64x4096xf32>, vector<64x4096xf32>, vector<64x4096xf32>, vector<64x4096xf32>, vector<64x4096xf32>, vector<64x4096xf32>, vector<64x4096xf32>, vector<64x4096xf32> -> vector<512x4096xf32>
    %jit3A_31 = arith.constant 0 : i32
    %convert_element_type3A_32 = arith.sitofp %jit3A_31 : i32 to f32
    %pad3A_33 = vector.broadcast %convert_element_type3A_32 : f32 to vector<448x16xf32>
    %pad3A_34 = tpu.concatenate %transpose3A, %pad3A_33 in 0 : vector<64x16xf32>, vector<448x16xf32> -> vector<512x16xf32>
    %jit3A_35 = arith.constant 0 : i32
    %convert_element_type3A_36 = arith.sitofp %jit3A_35 : i32 to f32
    %pad3A_37 = vector.broadcast %convert_element_type3A_36 : f32 to vector<64x16xf32>
    %pad3A_38 = tpu.concatenate %pad3A_37, %transpose3A in 0 : vector<64x16xf32>, vector<64x16xf32> -> vector<128x16xf32>
    %pad3A_39 = vector.broadcast %convert_element_type3A_36 : f32 to vector<384x16xf32>
    %pad3A_40 = tpu.concatenate %pad3A_38, %pad3A_39 in 0 : vector<128x16xf32>, vector<384x16xf32> -> vector<512x16xf32>
    %jit3A_41 = arith.constant 0 : i32
    %convert_element_type3A_42 = arith.sitofp %jit3A_41 : i32 to f32
    %pad3A_43 = vector.broadcast %convert_element_type3A_42 : f32 to vector<128x16xf32>
    %pad3A_44 = tpu.concatenate %pad3A_43, %transpose3A in 0 : vector<128x16xf32>, vector<64x16xf32> -> vector<192x16xf32>
    %pad3A_45 = vector.broadcast %convert_element_type3A_42 : f32 to vector<320x16xf32>
    %pad3A_46 = tpu.concatenate %pad3A_44, %pad3A_45 in 0 : vector<192x16xf32>, vector<320x16xf32> -> vector<512x16xf32>
    %jit3A_47 = arith.constant 0 : i32
    %convert_element_type3A_48 = arith.sitofp %jit3A_47 : i32 to f32
    %pad3A_49 = vector.broadcast %convert_element_type3A_48 : f32 to vector<192x16xf32>
    %pad3A_50 = tpu.concatenate %pad3A_49, %transpose3A in 0 : vector<192x16xf32>, vector<64x16xf32> -> vector<256x16xf32>
    %pad3A_51 = vector.broadcast %convert_element_type3A_48 : f32 to vector<256x16xf32>
    %pad3A_52 = tpu.concatenate %pad3A_50, %pad3A_51 in 0 : vector<256x16xf32>, vector<256x16xf32> -> vector<512x16xf32>
    %jit3A_53 = arith.constant 0 : i32
    %convert_element_type3A_54 = arith.sitofp %jit3A_53 : i32 to f32
    %pad3A_55 = vector.broadcast %convert_element_type3A_54 : f32 to vector<256x16xf32>
    %pad3A_56 = tpu.concatenate %pad3A_55, %transpose3A in 0 : vector<256x16xf32>, vector<64x16xf32> -> vector<320x16xf32>
    %pad3A_57 = vector.broadcast %convert_element_type3A_54 : f32 to vector<192x16xf32>
    %pad3A_58 = tpu.concatenate %pad3A_56, %pad3A_57 in 0 : vector<320x16xf32>, vector<192x16xf32> -> vector<512x16xf32>
    %jit3A_59 = arith.constant 0 : i32
    %convert_element_type3A_60 = arith.sitofp %jit3A_59 : i32 to f32
    %pad3A_61 = vector.broadcast %convert_element_type3A_60 : f32 to vector<320x16xf32>
    %pad3A_62 = tpu.concatenate %pad3A_61, %transpose3A in 0 : vector<320x16xf32>, vector<64x16xf32> -> vector<384x16xf32>
    %pad3A_63 = vector.broadcast %convert_element_type3A_60 : f32 to vector<128x16xf32>
    %pad3A_64 = tpu.concatenate %pad3A_62, %pad3A_63 in 0 : vector<384x16xf32>, vector<128x16xf32> -> vector<512x16xf32>
    %jit3A_65 = arith.constant 0 : i32
    %convert_element_type3A_66 = arith.sitofp %jit3A_65 : i32 to f32
    %pad3A_67 = vector.broadcast %convert_element_type3A_66 : f32 to vector<384x16xf32>
    %pad3A_68 = tpu.concatenate %pad3A_67, %transpose3A in 0 : vector<384x16xf32>, vector<64x16xf32> -> vector<448x16xf32>
    %pad3A_69 = vector.broadcast %convert_element_type3A_66 : f32 to vector<64x16xf32>
    %pad3A_70 = tpu.concatenate %pad3A_68, %pad3A_69 in 0 : vector<448x16xf32>, vector<64x16xf32> -> vector<512x16xf32>
    %jit3A_71 = arith.constant 0 : i32
    %convert_element_type3A_72 = arith.sitofp %jit3A_71 : i32 to f32
    %pad3A_73 = vector.broadcast %convert_element_type3A_72 : f32 to vector<448x16xf32>
    %pad3A_74 = tpu.concatenate %pad3A_73, %transpose3A in 0 : vector<448x16xf32>, vector<64x16xf32> -> vector<512x16xf32>
    %concatenate3A_75 = tpu.concatenate %pad3A_34, %pad3A_40, %pad3A_46, %pad3A_52, %pad3A_58, %pad3A_64, %pad3A_70, %pad3A_74 in 1 : vector<512x16xf32>, vector<512x16xf32>, vector<512x16xf32>, vector<512x16xf32>, vector<512x16xf32>, vector<512x16xf32>, vector<512x16xf32>, vector<512x16xf32> -> vector<512x128xf32>
    %dot_general3A_76 = arith.constant dense<0.000000e+00> : vector<4096x128xf32>
    %dot_general3A_77 = tpu.matmul %concatenate3A, %concatenate3A_75, %dot_general3A_76 {dimension_numbers = #tpu.dot_dimension_numbers<[0], [0], [1], [1], [0, 1, 1, 1], [], []>, transpose_lhs_hint = true} : vector<512x4096xf32>, vector<512x128xf32>, vector<4096x128xf32> -> vector<4096x128xf32>
    %swap3A = arith.constant 0 : index
    %swap3A_78 = arith.constant 0 : index
    %swap3A_79 = vector.load %arg11[%swap3A, %swap3A_78] : memref<4096x128xf32, #tpu.memory_space<vmem>>, vector<4096x128xf32>
    tpu.vector_store %arg11[%swap3A, %swap3A_78], %dot_general3A_77 {strides = array<i32>} : memref<4096x128xf32, #tpu.memory_space<vmem>>, vector<4096x128xf32>,
    return
  }
  func.func @transform_0(%arg0: i32) -> (i32, i32) {
    %mul3A = arith.constant 8 : i32
    %mul3A_0 = arith.muli %mul3A, %arg0 : i32
    %add3A = arith.constant 0 : i32
    %add3A_1 = arith.addi %mul3A_0, %add3A : i32
    %min3A = arith.constant 244 : i32
    %min3A_2 = arith.minsi %add3A_1, %min3A : i32
    %c0_i32 = arith.constant 0 : i32
    %c0_i32_3 = arith.constant 0 : i32
    return %c0_i32, %min3A_2 : i32, i32
  }
  func.func @transform_1(%arg0: i32) -> (i32, i32) {
    %mul3A = arith.constant 8 : i32
    %mul3A_0 = arith.muli %mul3A, %arg0 : i32
    %add3A = arith.constant 1 : i32
    %add3A_1 = arith.addi %mul3A_0, %add3A : i32
    %min3A = arith.constant 244 : i32
    %min3A_2 = arith.minsi %add3A_1, %min3A : i32
    %c0_i32 = arith.constant 0 : i32
    %c0_i32_3 = arith.constant 0 : i32
    return %c0_i32, %min3A_2 : i32, i32
  }
  func.func @transform_2(%arg0: i32) -> (i32, i32) {
    %mul3A = arith.constant 8 : i32
    %mul3A_0 = arith.muli %mul3A, %arg0 : i32
    %add3A = arith.constant 2 : i32
    %add3A_1 = arith.addi %mul3A_0, %add3A : i32
    %min3A = arith.constant 244 : i32
    %min3A_2 = arith.minsi %add3A_1, %min3A : i32
    %c0_i32 = arith.constant 0 : i32
    %c0_i32_3 = arith.constant 0 : i32
    return %c0_i32, %min3A_2 : i32, i32
  }
  func.func @transform_3(%arg0: i32) -> (i32, i32) {
    %mul3A = arith.constant 8 : i32
    %mul3A_0 = arith.muli %mul3A, %arg0 : i32
    %add3A = arith.constant 3 : i32
    %add3A_1 = arith.addi %mul3A_0, %add3A : i32
    %min3A = arith.constant 244 : i32
    %min3A_2 = arith.minsi %add3A_1, %min3A : i32
    %c0_i32 = arith.constant 0 : i32
    %c0_i32_3 = arith.constant 0 : i32
    return %c0_i32, %min3A_2 : i32, i32
  }
  func.func @transform_4(%arg0: i32) -> (i32, i32) {
    %mul3A = arith.constant 8 : i32
    %mul3A_0 = arith.muli %mul3A, %arg0 : i32
    %add3A = arith.constant 4 : i32
    %add3A_1 = arith.addi %mul3A_0, %add3A : i32
    %min3A = arith.constant 244 : i32
    %min3A_2 = arith.minsi %add3A_1, %min3A : i32
    %c0_i32 = arith.constant 0 : i32
    %c0_i32_3 = arith.constant 0 : i32
    return %c0_i32, %min3A_2 : i32, i32
  }
  func.func @transform_5(%arg0: i32) -> (i32, i32) {
    %mul3A = arith.constant 8 : i32
    %mul3A_0 = arith.muli %mul3A, %arg0 : i32
    %add3A = arith.constant 5 : i32
    %add3A_1 = arith.addi %mul3A_0, %add3A : i32
    %min3A = arith.constant 244 : i32
    %min3A_2 = arith.minsi %add3A_1, %min3A : i32
    %c0_i32 = arith.constant 0 : i32
    %c0_i32_3 = arith.constant 0 : i32
    return %c0_i32, %min3A_2 : i32, i32
  }
  func.func @transform_6(%arg0: i32) -> (i32, i32) {
    %mul3A = arith.constant 8 : i32
    %mul3A_0 = arith.muli %mul3A, %arg0 : i32
    %add3A = arith.constant 6 : i32
    %add3A_1 = arith.addi %mul3A_0, %add3A : i32
    %min3A = arith.constant 244 : i32
    %min3A_2 = arith.minsi %add3A_1, %min3A : i32
    %c0_i32 = arith.constant 0 : i32
    %c0_i32_3 = arith.constant 0 : i32
    return %c0_i32, %min3A_2 : i32, i32
  }
  func.func @transform_7(%arg0: i32) -> (i32, i32) {
    %mul3A = arith.constant 8 : i32
    %mul3A_0 = arith.muli %mul3A, %arg0 : i32
    %add3A = arith.constant 7 : i32
    %add3A_1 = arith.addi %mul3A_0, %add3A : i32
    %min3A = arith.constant 244 : i32
    %min3A_2 = arith.minsi %add3A_1, %min3A : i32
    %c0_i32 = arith.constant 0 : i32
    %c0_i32_3 = arith.constant 0 : i32
    return %c0_i32, %min3A_2 : i32, i32
  }
  func.func @transform_8(%arg0: i32) -> (i32, i32) {
    %c0_i32 = arith.constant 0 : i32
    %c0_i32_0 = arith.constant 0 : i32
    %c0_i32_1 = arith.constant 0 : i32
    return %c0_i32, %c0_i32_0 : i32, i32
  }
  func.func @transform_9(%arg0: i32) -> (i32, i32) {
    %c0_i32 = arith.constant 0 : i32
    %c0_i32_0 = arith.constant 0 : i32
    %c0_i32_1 = arith.constant 0 : i32
    return %c0_i32, %c0_i32_0 : i32, i32
  }
  func.func @transform_10(%arg0: i32) -> (i32, i32) {
    %c0_i32 = arith.constant 0 : i32
    %c0_i32_0 = arith.constant 0 : i32
    return %arg0, %c0_i32 : i32, i32
  }
}

module attributes {stable_mosaic.version = 14 : i64} {
  func.func @_sm_body(%arg0: i32, %arg1: memref<1024x16xf32, #tpu.memory_space<vmem>>, %arg2: memref<10x256xf32, #tpu.memory_space<vmem>>, %arg3: memref<1x256xf32, #tpu.memory_space<vmem>>, %arg4: memref<1x10xf32, #tpu.memory_space<vmem>>, %arg5: memref<1024x10xf32, #tpu.memory_space<vmem>>) attributes {dimension_semantics = [#tpu.dimension_semantics<arbitrary>], iteration_bounds = array<i64: 4>, scalar_prefetch = 0 : i64, scratch_operands = 0 : i64, tpu.core_type = #tpu.core_type<tc>, window_params = [{transform_indices = @transform_0, window_bounds = array<i64: 1024, 16>}, {pipeline_mode = #tpu.pipeline_mode<synchronous>, transform_indices = @transform_1, window_bounds = array<i64: 10, 256>}, {pipeline_mode = #tpu.pipeline_mode<synchronous>, transform_indices = @transform_2, window_bounds = array<i64: 1, 256>}, {pipeline_mode = #tpu.pipeline_mode<synchronous>, transform_indices = @transform_3, window_bounds = array<i64: 1, 10>}, {transform_indices = @transform_4, window_bounds = array<i64: 1024, 10>}]} {
    %get3A = arith.constant 0 : index
    %get3A_0 = arith.constant 0 : index
    %get3A_1 = vector.load %arg3[%get3A, %get3A_0] : memref<1x256xf32, #tpu.memory_space<vmem>>, vector<1x256xf32>
    %get3A_2 = arith.constant 0 : index
    %get3A_3 = arith.constant 0 : index
    %get3A_4 = vector.load %arg2[%get3A_2, %get3A_3] : memref<10x256xf32, #tpu.memory_space<vmem>>, vector<10x256xf32>
    %dot_general3A = arith.constant dense<0.000000e+00> : vector<1x10xf32>
    %dot_general3A_5 = tpu.matmul %get3A_1, %get3A_4, %dot_general3A {dimension_numbers = #tpu.dot_dimension_numbers<[1], [1], [0], [0], [0, 0, 1, 0], [], []>, transpose_lhs_hint = false} : vector<1x256xf32>, vector<10x256xf32>, vector<1x10xf32> -> vector<1x10xf32>
    %get3A_6 = arith.constant 0 : index
    %get3A_7 = arith.constant 0 : index
    %get3A_8 = vector.load %arg4[%get3A_6, %get3A_7] : memref<1x10xf32, #tpu.memory_space<vmem>>, vector<1x10xf32>
    %add3A = arith.addf %dot_general3A_5, %get3A_8 : vector<1x10xf32>
    %get3A_9 = arith.constant 0 : index
    %get3A_10 = arith.constant 0 : index
    %get3A_11 = vector.load %arg1[%get3A_9, %get3A_10] : memref<1024x16xf32, #tpu.memory_space<vmem>>, vector<1024x16xf32>
    %slice3A = vector.extract_strided_slice %get3A_11 {offsets = [0, 0], sizes = [1024, 10], strides = [1, 1]} : vector<1024x16xf32> to vector<1024x10xf32>
    %add3A_12 = vector.broadcast %add3A : vector<1x10xf32> to vector<1024x10xf32>
    %add3A_13 = arith.addf %slice3A, %add3A_12 : vector<1024x10xf32>
    %reduce_max3A = arith.constant dense<0xFF800000> : vector<1024xf32>
    %reduce_max3A_14 = vector.multi_reduction <maximumf>, %add3A_13, %reduce_max3A [1] : vector<1024x10xf32> to vector<1024xf32>
    %broadcast_in_dim3A = vector.shape_cast %reduce_max3A_14 : vector<1024xf32> to vector<1024x1xf32>
    %sub3A = vector.broadcast %broadcast_in_dim3A : vector<1024x1xf32> to vector<1024x10xf32>
    %sub3A_15 = arith.subf %add3A_13, %sub3A : vector<1024x10xf32>
    %exp3A = math.exp %sub3A_15 : vector<1024x10xf32>
    %reduce_sum3A = arith.constant dense<0.000000e+00> : vector<1024xf32>
    %reduce_sum3A_16 = vector.multi_reduction <add>, %exp3A, %reduce_sum3A [1] : vector<1024x10xf32> to vector<1024xf32>
    %broadcast_in_dim3A_17 = vector.shape_cast %reduce_sum3A_16 : vector<1024xf32> to vector<1024x1xf32>
    %div3A = vector.broadcast %broadcast_in_dim3A_17 : vector<1024x1xf32> to vector<1024x10xf32>
    %div3A_18 = arith.divf %exp3A, %div3A : vector<1024x10xf32>
    %swap3A = arith.constant 0 : index
    %swap3A_19 = arith.constant 0 : index
    %swap3A_20 = vector.load %arg5[%swap3A, %swap3A_19] : memref<1024x10xf32, #tpu.memory_space<vmem>>, vector<1024x10xf32>
    tpu.vector_store %arg5[%swap3A, %swap3A_19], %div3A_18 {strides = array<i32>} : memref<1024x10xf32, #tpu.memory_space<vmem>>, vector<1024x10xf32>,
    return
  }
  func.func @transform_0(%arg0: i32) -> (i32, i32) {
    %c0_i32 = arith.constant 0 : i32
    %c0_i32_0 = arith.constant 0 : i32
    return %arg0, %c0_i32 : i32, i32
  }
  func.func @transform_1(%arg0: i32) -> (i32, i32) {
    %c0_i32 = arith.constant 0 : i32
    %c0_i32_0 = arith.constant 0 : i32
    %c0_i32_1 = arith.constant 0 : i32
    return %c0_i32, %c0_i32_0 : i32, i32
  }
  func.func @transform_2(%arg0: i32) -> (i32, i32) {
    %c0_i32 = arith.constant 0 : i32
    %c0_i32_0 = arith.constant 0 : i32
    %c0_i32_1 = arith.constant 0 : i32
    return %c0_i32, %c0_i32_0 : i32, i32
  }
  func.func @transform_3(%arg0: i32) -> (i32, i32) {
    %c0_i32 = arith.constant 0 : i32
    %c0_i32_0 = arith.constant 0 : i32
    %c0_i32_1 = arith.constant 0 : i32
    return %c0_i32, %c0_i32_0 : i32, i32
  }
  func.func @transform_4(%arg0: i32) -> (i32, i32) {
    %c0_i32 = arith.constant 0 : i32
    %c0_i32_0 = arith.constant 0 : i32
    return %arg0, %c0_i32 : i32, i32
  }
}

</mosaic_0001>

<sc_bundles>
// kernel: kernel.5.cloned.1.call-start
scs
__scs_entry_jumppad:
0x0: {  	(pc) =	sbr.rel $0x88, $3  }
0x1: {  	(tag) =	ssettag $0x0;
	lr =	simm.s32 $0x1  }
0x2: {  	[smem:$0x3F9B] =	sst lr;
	_ =	strace $0xD0000000  }
0x3: {  	_ = 	snop  }
0x4: {  	_ = 	snop  }
0x5: {  	_ = 	snop  }
0x6: {  	_ = 	snop  }
0x7: {  	_ = 	snop  }
__scs_overlays_trampoline_lowered:
0x8: {  	[smem:$0x3FAA] =	sst s0  }
0x9: {  	[smem:$0x3FAB] =	sst s1  }
0xa: {  	[smem:$0x3FAC] =	sst s2  }
0xb: {  	[smem:$0x3FAD] =	sst s3  }
0xc: {  	[smem:$0x3FAE] =	sst s4  }
0xd: {  	[smem:$0x3FAF] =	sst s5  }
0xe: {  	[smem:$0x3FB0] =	sst s6  }
0xf: {  	[smem:$0x3FB1] =	sst s7  }
0x10: {  	[smem:$0x3FB2] =	sst s8  }
0x11: {  	[smem:$0x3FB3] =	sst s9;
	s0 =	simm.s32 @!p0 $0x0  }
0x12: {  	s1 =	sld [smem:$0x3F99];
	s0 =	simm.s32 @p0 $0x1  }
0x13: {  	[smem:$0x3FB4] =	sst s0;
	s0 =	simm.s32 @!p1 $0x0  }
0x14: {  	s2 =	sld [smem:$0x3F98];
	s0 =	simm.s32 @p1 $0x1  }
0x15: {  	[smem:$0x3FB5] =	sst s0;
	s0 =	simm.s32 @!p2 $0x0  }
0x16: {  	s3 =	sld [smem:$0x3FDB];
	s0 =	simm.s32 @p2 $0x1  }
0x17: {  	s4 =	simm.s32 $0x1BF5;
	[smem:$0x3FB7] =	sst s0  }
0x18: {  	s0 =	sld [smem:$0x3F9A];
	_ =	swait.ge [sflag:s4], $0x0  }
0x19: {  	s7 =	sld [smem:$0x3F9B]  }
0x1a: {  	s8 =	sadd.s32 $0xFFFFE003, lr  }
0x1b: {  	s9 =	sadd.s32 $0xFFFFFEF7, lr;
	s5 =	simm.s32 $0xFFFFFFFF;
	p2 =	slt.u32 s8, $0xFFFFF086  }
0x1c: {  	p1 =	slt.u32 s9, $0xF7A;
	s5 =	simm.s32 @!p2 $0x0  }
0x1d: {  	s5 =	simm.s32 @p1 $0x1;
	p0 =	seq.s32 s7, s2  }
0x1e: {  	s7 =	smul.u32 @!p0 $0xF7A, s2;
	p2 =	seq.s32 @!p0 s5, $0x0  }
0x1f: {  	s9 =	smul.u32 $0xF7A, s1;
	s8 =	simm.s32 @!p0 $0x1BF5;
	p2 =	por !p2, p0  }
0x20: {  	[sflag:s8] =	ssyncset.s32 @!p0 $0xFFFFF086;
	s6 =	sadd.s32 @!p0 s3, s7;
	s7 =	simm.s32 @!p0 $0x108  }
0x21: {  	s3 =	sadd.s32 s3, s9;
	s6 =	sadd.s32 @!p0 $0x88, s6;
	s7 =	simm.s32 @p2 $0x1082  }
0x22: {  	[simem:s7], [sflag:s8] =	dma.local @!p0 [hbm:s6], $0xF7A  }
0x23: {  	s9 =	sor.u32 $0xD0000000, s2;
	s6 =	simm.s32 $0x108;
	_ =	swait.ge @!p0 [sflag:s8], $0x0  }
0x24: {  	s3 =	sadd.s32 $0x88, s3;
	s6 =	simm.s32 @!p1 $0x1082;
	[sflag:s4] =	ssyncset.s32 $0xFFFFF086  }
0x25: {  	[simem:s6], [sflag:s4] =	dma.local [hbm:s3], $0xF7A  }
0x26: {  	[smem:$0x3F9B] =	sst s1;
	(tag) =	ssettag s2;
	_ =	strace s9  }
0x27: {  	s1 =	sld [smem:$0x3FAB]  }
0x28: {  	s2 =	sld [smem:$0x3FAC]  }
0x29: {  	s4 =	sld [smem:$0x3FAE]  }
0x2a: {  	p0 =	seq.s32 s5, $0x0;
	s5 =	sld [smem:$0x3FAF]  }
0x2b: {  	s6 =	sld [smem:$0x3FB0]  }
0x2c: {  	s7 =	sld [smem:$0x3FB1]  }
0x2d: {  	s3 =	simm.s32 $0x108;
	s8 =	sld [smem:$0x3FB2]  }
0x2e: {  	s3 =	simm.s32 @!p0 $0x1082;
	s9 =	sld [smem:$0x3FB3]  }
0x2f: {  	lr =	sadd.s32 s0, s3;
	s0 =	sld [smem:$0x3FAA]  }
0x30: {  	s3 =	sld [smem:$0x3FAD]  }
0x31: {  	[smem:$0x3FB6] =	sst s10  }
0x32: {  	s10 =	sld [smem:$0x3FB4];
	_ =	sdelay $0x3  }
0x33: {  	p0 =	seq.s32 s10, $0x1;
	s10 =	sld [smem:$0x3FB6];
	_ =	sdelay $0x3  }
0x34: {  	[smem:$0x3FB6] =	sst s10  }
0x35: {  	s10 =	sld [smem:$0x3FB5];
	_ =	sdelay $0x3  }
0x36: {  	p1 =	seq.s32 s10, $0x1;
	s10 =	sld [smem:$0x3FB6];
	_ =	sdelay $0x3  }
0x37: {  	[smem:$0x3FB6] =	sst s10  }
0x38: {  	s10 =	sld [smem:$0x3FB7]  }
0x39: {  	_ = 	snop;
	(pc) =	sbr.ind lr, $3  }
0x3a: {  	_ = 	snop  }
0x3b: {  	_ = 	snop  }
0x3c: {  	p2 =	seq.s32 s10, $0x1;
	s10 =	sld [smem:$0x3FB6]  }
0x3d: {  	_ =	shalt  }
0x3e: {  	_ =	shalt  }
0x3f: {  	_ =	shalt  }
0x40: {  	_ =	shalt  }
0x41: {  	_ =	shalt  }
0x42: {  	_ =	shalt  }
0x43: {  	_ =	shalt  }
0x44: {  	_ =	shalt  }
0x45: {  	_ =	shalt  }
0x46: {  	_ =	shalt  }
0x47: {  	_ =	shalt  }
0x48: {  	_ =	shalt  }
0x49: {  	_ =	shalt  }
0x4a: {  	_ =	shalt  }
0x4b: {  	_ =	shalt  }
0x4c: {  	_ =	shalt  }
0x4d: {  	_ =	shalt  }
0x4e: {  	_ =	shalt  }
0x4f: {  	_ =	shalt  }
0x50: {  	_ =	shalt  }
0x51: {  	_ =	shalt  }
0x52: {  	_ =	shalt  }
0x53: {  	_ =	shalt  }
0x54: {  	_ =	shalt  }
0x55: {  	_ =	shalt  }
0x56: {  	_ =	shalt  }
0x57: {  	_ =	shalt  }
0x58: {  	_ =	shalt  }
0x59: {  	_ =	shalt  }
0x5a: {  	_ =	shalt  }
0x5b: {  	_ =	shalt  }
0x5c: {  	_ =	shalt  }
0x5d: {  	_ =	shalt  }
0x5e: {  	_ =	shalt  }
0x5f: {  	_ =	shalt  }
0x60: {  	_ =	shalt  }
0x61: {  	_ =	shalt  }
0x62: {  	_ =	shalt  }
0x63: {  	_ =	shalt  }
0x64: {  	_ =	shalt  }
0x65: {  	_ =	shalt  }
0x66: {  	_ =	shalt  }
0x67: {  	_ =	shalt  }
0x68: {  	_ =	shalt  }
0x69: {  	_ =	shalt  }
0x6a: {  	_ =	shalt  }
0x6b: {  	_ =	shalt  }
0x6c: {  	_ =	shalt  }
0x6d: {  	_ =	shalt  }
0x6e: {  	_ =	shalt  }
0x6f: {  	_ =	shalt  }
0x70: {  	_ =	shalt  }
0x71: {  	_ =	shalt  }
0x72: {  	_ =	shalt  }
0x73: {  	_ =	shalt  }
0x74: {  	_ =	shalt  }
0x75: {  	_ =	shalt  }
0x76: {  	_ =	shalt  }
0x77: {  	_ =	shalt  }
0x78: {  	_ =	shalt  }
0x79: {  	_ =	shalt  }
0x7a: {  	_ =	shalt  }
0x7b: {  	_ =	shalt  }
0x7c: {  	_ =	shalt  }
0x7d: {  	_ =	shalt  }
0x7e: {  	_ =	shalt  }
0x7f: {  	_ =	shalt  }
0x80: {  	_ =	shalt  }
0x81: {  	_ =	shalt  }
0x82: {  	_ =	shalt  }
0x83: {  	_ =	shalt  }
0x84: {  	_ =	shalt  }
0x85: {  	_ =	shalt  }
0x86: {  	_ =	shalt  }
0x87: {  	_ =	shalt  }
.Lfunc_end0:
.L_simem_size_0:
called_computation_lowered:
.L_overlay_start_0:
0x88: {  	s2 =	sld [smem:$0x3FD9]  }
0x89: {  	s3 =	sld [smem:$0x3FFE];
	_ =	sdelay $0x1  }
0x8a: {  	s1 =	srdreg.scid  }
0x8b: {  	s0 =	sand.u32 $0x1, s1  }
0x8c: {  	s17 =	sshll.u32 s0, $0xA;
	s2 =	sadd.s32 s3, s2  }
0x8d: {  	s2 =	sadd.s32 s2, s17  }
0x8e: {  	[smem:$0x3FC2] =	sst s2  }
0x8f: {  	_ = 	snop  }
0x90: {  	s2 =	sld [smem:$0x3FD0];
	(tm) =	ssettm $0x1  }
0x91: {  	s18 =	sld [smem:$0x3FFB];
	_ =	sdelay $0x3  }
0x92: {  	_ =	strace s18  }
0x93: {  	s3 =	sld [smem:$0x3FFC];
	_ =	sdelay $0x3  }
0x94: {  	_ =	strace s3  }
0x95: {  	s3 =	sld [smem:$0x3FFD];
	_ =	sdelay $0x3  }
0x96: {  	_ =	strace s3  }
0x97: {  	_ =	strace $0x8FFFFFFF  }
0x98: {  	s19 =	sld [smem:$0x3FDB];
	_ =	sdelay $0x1  }
0x99: {  	s4 =	simm.s32 $_scs_section_size  }
0x9a: {  	s5 =	simm.s32 $_size__tile_overlayer_lowered;
	s6 =	simm.s32 $_tile_overlayer_lowered  }
0x9b: {  	s22 =	simm.s32 $0x1BFF;
	s21 =	sshll.u32 s6, $0x1;
	s3 =	sadd.s32 s4, s19  }
0x9c: {  	s7 =	simm.s32 $0x0;
	s20 =	sshll.u32 s5, $0x1;
	s5 =	sadd.s32 s21, s3  }
0x9d: {  	[timem:s7], [sflag:s22] =	dma.local [hbm:s5], s20  }
0x9e: {  	_ =	swait.ge [sflag:s22], s20  }
0x9f: {  	s4 =	ssub.s32 $0x0, s20;
	[sflag:s22] =	ssyncset.done $0x0  }
0xa0: {  	[sflag:s22] =	ssyncadd.s32 s4;
	_ =	sdelay $0x1  }
0xa1: {  	s23 =	simm.s32 $0x1B8B  }
0xa2: {  	_ =	swait.ge [sflag:s23], $0x1  }
0xa3: {  	[sflag:s23] =	ssyncset.done $0x0  }
0xa4: {  	s25 =	simm.s32 $0x1B8E;
	s24 =	sld [smem:$0x3FFE];
	[sflag:s23] =	ssyncadd.s32 $0xFFFFFFFF  }
0xa5: {  	s26 =	simm.s32 $execute0_lowered;
	[smem:$0x3FD2] =	sst s25  }
0xa6: {  	s5 =	sshll.u32 s26, $0x1;
	_ =	strace $0x80000046;
	[dreg:$0x1] =	wrdreg $0xFFFFFFFF  }
0xa7: {  	s28 =	simm.s32 $_size_execute0_lowered;
	s3 =	sadd.s32 s3, s5;
	[dreg:$0x0] =	wrdreg $0x0  }
0xa8: {  	s5 =	sshll.u32 s28, $0x1;
	[dreg:$0x2] =	wrdreg s3  }
0xa9: {  	[dreg:$0x3] =	wrdreg s5  }
0xaa: {  	[dreg:$0x4] =	wrdreg $0xC0  }
0xab: {  	_ =	task [dreg:s7], $0x5FFFF  }
0xac: {  	[dreg:$0x1] =	wrdreg $0xFFFFFFFF  }
0xad: {  	[dreg:$0x0] =	wrdreg $0x60  }
0xae: {  	[dreg:$0x2] =	wrdreg s24  }
0xaf: {  	[dreg:$0x3] =	wrdreg s2  }
0xb0: {  	[dreg:$0x4] =	wrdreg $0x9  }
0xb1: {  	_ =	task.clear_ibuf [dreg:s7], $0x5FFFF;
	_ =	strace $0x90000046  }
0xb2: {  	s29 =	simm.s32 $0x9;
	_ =	strace $0x80000048  }
0xb3: {  	_ =	swait.ge [sflag:s29], $0x1  }
0xb4: {  	[sflag:s29] =	ssyncadd.s32 $0xFFFFFFFF  }
0xb5: {  	_ =	strace $0x90000048  }
0xb6: {  	_ =	sfence  }
0xb7: {  	s30 =	sld [smem:$0x0];
	_ =	sdelay $0x2  }
0xb8: {  	s31 =	sshll.u32 s1, $0xD;
	s1 =	sshrl.u32 s1, $0x2  }
0xb9: {  	s3 =	sand.u32 $0x4000, s31;
	s1 =	sadd.s32 s1, s30  }
0xba: {  	s0 =	sor.u32 s3, s0;
	s1 =	sshll.u32 s1, $0x11  }
0xbb: {  	s0 =	sor.u32 s1, s0  }
0xbc: {  	s0 =	sadd.s32 $0x8F2B, s0  }
0xbd: {  	[sflag:s0] =	ssyncadd.remote.s32 $0x1  }
0xbe: {  	_ =	sfence.sel $0xFFFF  }
0xbf: {  	[dreg:$0x0] =	wrdreg $0xFFFFFFFF;
	(pc) =	sbr.abs _section_cstart, $3  }
0xc0: {  	[dreg:$0x1] =	wrdreg $0xFFFFFFFF  }
0xc1: {  	_ =	task.clear_ibuf [dreg:s7], $0x2FFFF;
	_ =	strace $0x9FFFFFFF  }
0xc2: {  	(tm) =	ssettm $0x7FFFFFFF  }
0xc3: {  	_ =	shalt  }
tec
execute0_lowered:
.L_overlay_start_1:
0x0: {  	(tag) =	ssettag $0x1  }
0x1: {  	s4 =	rddreg [dreg:$0x0];
	s1 =	srdreg.scid  }
0x2: {  	s0 =	stileid.u32;
	s5 =	rddreg [dreg:$0x1];
	s2 =	simm.s32 $0x0  }
0x3: {  	s9 =	simm.s32 $0x1A00;
	s10 =	simm.s32 $0x2040;
	s11 =	simm.s32 $0x1  }
0x4: {  	s12 =	simm.s32 $0x2;
	s13 =	simm.s32 $0x2680;
	s14 =	simm.s32 $0x0  }
0x5: {  	s6 =	sand.u32 $0x1, s1;
	s3 =	sshll.u32 s0, $0x1;
	s1 =	rddreg [dreg:$0x2]  }
0x6: {  	[smem:$0x7FF] =	sst s2;
	s7 =	sor.u32 s6, s3;
	s6 =	ssub.s32 $0x2, s6  }
0x7: {  	_ =	strace $0x80000047;
	s8 =	smul.u32 $0x340, s7;
	s31 =	sshrl.u32 s6, $0x1  }
0x8: {  	s3 =	sadd.s32 $0x7200, s4;
	s7 =	sshll.u32 s7, $0x8;
	s6 =	ssub.s32 s6, s31  }
0x9: {  	s5 =	sadd.s32 s5, s7;
	s7 =	simm.s32 $0x3;
	s4 =	sadd.s32 s8, s4  }
0xa: {  	s6 =	smax.u32 s6, $0x1;
	s8 =	simm.s32 $0x64;
	s4 =	sadd.s32 $0xA00, s4  }
.LBB2_1:
0xb: {  	[tilespmem:s2], [sflag:$0x3] =	stream.linear.gather [hbm4b:s4+s2], $0x1A00, $0x38;
	[tilespmem:$0x2E80] =	vst v63  }
0xc: {  	_ =	swait.ge [sflag:s7], $0x1A00  }
0xd: {  	[sflag:s7] =	ssyncset.done $0x0  }
0xe: {  	[sflag:s7] =	ssyncadd.s32 $0xFFFFE600  }
0xf: {  	[tilespmem:s9], [sflag:$0x1] =	stream.indirect.gather [hbm4b:s3+s8], $0x10, s2, s8, $0xb8;
	[tilespmem:$0x2E80] =	vst v63  }
0x10: {  	s15 =	simm.s32 $0x68  }
0x11: {  	[tilespmem:s10], [sflag:$0x2] =	stream.indirect.gather [hbm4b:s3+s8], $0x10, s15, s8, $0xb8;
	[tilespmem:$0x2E80] =	vst v63  }
0x12: {  	_ =	swait.ge [sflag:s11], $0x640  }
0x13: {  	[sflag:s11] =	ssyncset.done $0x0  }
0x14: {  	[sflag:s11] =	ssyncadd.s32 $0xFFFFF9C0  }
0x15: {  	v0 =	vld [tilespmem:$0x1A00];
	_ =	sdelay $0x1  }
0x16: {  	v1 =	vld [tilespmem:$0x1A10];
	_ =	sdelay $0x1  }
0x17: {  	v2 =	vld [tilespmem:$0x1A20]  }
0x18: {  	v0 =	vadd.f32 $0.0e+00, v0  }
0x19: {  	v3 =	vld [tilespmem:$0x1A30]  }
0x1a: {  	v0 =	vadd.f32 v1, v0  }
0x1b: {  	v1 =	vld [tilespmem:$0x1A40]  }
0x1c: {  	v0 =	vadd.f32 v2, v0  }
0x1d: {  	v2 =	vld [tilespmem:$0x1A50]  }
0x1e: {  	v0 =	vadd.f32 v3, v0  }
0x1f: {  	v3 =	vld [tilespmem:$0x1A60]  }
0x20: {  	v0 =	vadd.f32 v1, v0  }
0x21: {  	v1 =	vld [tilespmem:$0x1A70]  }
0x22: {  	v0 =	vadd.f32 v2, v0  }
0x23: {  	v2 =	vld [tilespmem:$0x1A80]  }
0x24: {  	v0 =	vadd.f32 v3, v0  }
0x25: {  	v3 =	vld [tilespmem:$0x1A90]  }
0x26: {  	v0 =	vadd.f32 v1, v0  }
0x27: {  	v1 =	vld [tilespmem:$0x1AA0]  }
0x28: {  	v0 =	vadd.f32 v2, v0  }
0x29: {  	v2 =	vld [tilespmem:$0x1AB0]  }
0x2a: {  	v0 =	vadd.f32 v3, v0  }
0x2b: {  	v3 =	vld [tilespmem:$0x1AC0]  }
0x2c: {  	v0 =	vadd.f32 v1, v0  }
0x2d: {  	v1 =	vld [tilespmem:$0x1AD0]  }
0x2e: {  	v0 =	vadd.f32 v2, v0  }
0x2f: {  	v2 =	vld [tilespmem:$0x1AE0]  }
0x30: {  	v0 =	vadd.f32 v3, v0  }
0x31: {  	v3 =	vld [tilespmem:$0x1AF0]  }
0x32: {  	v0 =	vadd.f32 v1, v0  }
0x33: {  	v1 =	vld [tilespmem:$0x1B00]  }
0x34: {  	v0 =	vadd.f32 v2, v0  }
0x35: {  	v2 =	vld [tilespmem:$0x1B10]  }
0x36: {  	v0 =	vadd.f32 v3, v0  }
0x37: {  	v3 =	vld [tilespmem:$0x1B20]  }
0x38: {  	v0 =	vadd.f32 v1, v0  }
0x39: {  	v1 =	vld [tilespmem:$0x1B30]  }
0x3a: {  	v0 =	vadd.f32 v2, v0  }
0x3b: {  	v2 =	vld [tilespmem:$0x1B40]  }
0x3c: {  	v0 =	vadd.f32 v3, v0  }
0x3d: {  	v3 =	vld [tilespmem:$0x1B50]  }
0x3e: {  	v0 =	vadd.f32 v1, v0  }
0x3f: {  	v1 =	vld [tilespmem:$0x1B60]  }
0x40: {  	v0 =	vadd.f32 v2, v0  }
0x41: {  	v2 =	vld [tilespmem:$0x1B70]  }
0x42: {  	v0 =	vadd.f32 v3, v0  }
0x43: {  	v3 =	vld [tilespmem:$0x1B80]  }
0x44: {  	v0 =	vadd.f32 v1, v0  }
0x45: {  	v1 =	vld [tilespmem:$0x1B90]  }
0x46: {  	v0 =	vadd.f32 v2, v0  }
0x47: {  	v2 =	vld [tilespmem:$0x1BA0]  }
0x48: {  	v0 =	vadd.f32 v3, v0  }
0x49: {  	v3 =	vld [tilespmem:$0x1BB0]  }
0x4a: {  	v0 =	vadd.f32 v1, v0  }
0x4b: {  	v1 =	vld [tilespmem:$0x1BC0]  }
0x4c: {  	v0 =	vadd.f32 v2, v0  }
0x4d: {  	v2 =	vld [tilespmem:$0x1BD0]  }
0x4e: {  	v0 =	vadd.f32 v3, v0  }
0x4f: {  	v3 =	vld [tilespmem:$0x1BE0]  }
0x50: {  	v0 =	vadd.f32 v1, v0  }
0x51: {  	v1 =	vld [tilespmem:$0x1BF0]  }
0x52: {  	v0 =	vadd.f32 v2, v0  }
0x53: {  	v2 =	vld [tilespmem:$0x1C00]  }
0x54: {  	v0 =	vadd.f32 v3, v0  }
0x55: {  	v3 =	vld [tilespmem:$0x1C10]  }
0x56: {  	v0 =	vadd.f32 v1, v0  }
0x57: {  	v1 =	vld [tilespmem:$0x1C20]  }
0x58: {  	v0 =	vadd.f32 v2, v0  }
0x59: {  	v2 =	vld [tilespmem:$0x1C30]  }
0x5a: {  	v0 =	vadd.f32 v3, v0  }
0x5b: {  	v3 =	vld [tilespmem:$0x1C40]  }
0x5c: {  	v0 =	vadd.f32 v1, v0  }
0x5d: {  	v1 =	vld [tilespmem:$0x1C50]  }
0x5e: {  	v0 =	vadd.f32 v2, v0  }
0x5f: {  	v2 =	vld [tilespmem:$0x1C60]  }
0x60: {  	v0 =	vadd.f32 v3, v0  }
0x61: {  	v3 =	vld [tilespmem:$0x1C70]  }
0x62: {  	v0 =	vadd.f32 v1, v0  }
0x63: {  	v1 =	vld [tilespmem:$0x1C80]  }
0x64: {  	v0 =	vadd.f32 v2, v0  }
0x65: {  	v2 =	vld [tilespmem:$0x1C90]  }
0x66: {  	v0 =	vadd.f32 v3, v0  }
0x67: {  	v3 =	vld [tilespmem:$0x1CA0]  }
0x68: {  	v0 =	vadd.f32 v1, v0  }
0x69: {  	v1 =	vld [tilespmem:$0x1CB0]  }
0x6a: {  	v0 =	vadd.f32 v2, v0  }
0x6b: {  	v2 =	vld [tilespmem:$0x1CC0]  }
0x6c: {  	v0 =	vadd.f32 v3, v0  }
0x6d: {  	v3 =	vld [tilespmem:$0x1CD0]  }
0x6e: {  	v0 =	vadd.f32 v1, v0  }
0x6f: {  	v1 =	vld [tilespmem:$0x1CE0]  }
0x70: {  	v0 =	vadd.f32 v2, v0  }
0x71: {  	v2 =	vld [tilespmem:$0x1CF0]  }
0x72: {  	v0 =	vadd.f32 v3, v0  }
0x73: {  	v3 =	vld [tilespmem:$0x1D00]  }
0x74: {  	v0 =	vadd.f32 v1, v0  }
0x75: {  	v1 =	vld [tilespmem:$0x1D10]  }
0x76: {  	v0 =	vadd.f32 v2, v0;
	_ =	sdelay $0x1  }
0x77: {  	v0 =	vadd.f32 v3, v0;
	_ =	sdelay $0x1  }
0x78: {  	v0 =	vadd.f32 v1, v0;
	_ =	sdelay $0x1  }
0x79: {  	v0 =	vmul.f32 $1.999999960e-02, v0  }
0x7a: {  	s15 =	simm.s32 $0x26A0  }
0x7b: {  	[tilespmem:s15+$0xFFFFFFE0] =	vst v0  }
0x7c: {  	v0 =	vld [tilespmem:$0x1D20];
	_ =	sdelay $0x1  }
0x7d: {  	v1 =	vld [tilespmem:$0x1D30];
	_ =	sdelay $0x1  }
0x7e: {  	v2 =	vld [tilespmem:$0x1D40]  }
0x7f: {  	v0 =	vadd.f32 $0.0e+00, v0  }
0x80: {  	v3 =	vld [tilespmem:$0x1D50]  }
0x81: {  	v0 =	vadd.f32 v1, v0  }
0x82: {  	v1 =	vld [tilespmem:$0x1D60]  }
0x83: {  	v0 =	vadd.f32 v2, v0  }
0x84: {  	v2 =	vld [tilespmem:$0x1D70]  }
0x85: {  	v0 =	vadd.f32 v3, v0  }
0x86: {  	v3 =	vld [tilespmem:$0x1D80]  }
0x87: {  	v0 =	vadd.f32 v1, v0  }
0x88: {  	v1 =	vld [tilespmem:$0x1D90]  }
0x89: {  	v0 =	vadd.f32 v2, v0  }
0x8a: {  	v2 =	vld [tilespmem:$0x1DA0]  }
0x8b: {  	v0 =	vadd.f32 v3, v0  }
0x8c: {  	v3 =	vld [tilespmem:$0x1DB0]  }
0x8d: {  	v0 =	vadd.f32 v1, v0  }
0x8e: {  	v1 =	vld [tilespmem:$0x1DC0]  }
0x8f: {  	v0 =	vadd.f32 v2, v0  }
0x90: {  	v2 =	vld [tilespmem:$0x1DD0]  }
0x91: {  	v0 =	vadd.f32 v3, v0  }
0x92: {  	v3 =	vld [tilespmem:$0x1DE0]  }
0x93: {  	v0 =	vadd.f32 v1, v0  }
0x94: {  	v1 =	vld [tilespmem:$0x1DF0]  }
0x95: {  	v0 =	vadd.f32 v2, v0  }
0x96: {  	v2 =	vld [tilespmem:$0x1E00]  }
0x97: {  	v0 =	vadd.f32 v3, v0  }
0x98: {  	v3 =	vld [tilespmem:$0x1E10]  }
0x99: {  	v0 =	vadd.f32 v1, v0  }
0x9a: {  	v1 =	vld [tilespmem:$0x1E20]  }
0x9b: {  	v0 =	vadd.f32 v2, v0  }
0x9c: {  	v2 =	vld [tilespmem:$0x1E30]  }
0x9d: {  	v0 =	vadd.f32 v3, v0  }
0x9e: {  	v3 =	vld [tilespmem:$0x1E40]  }
0x9f: {  	v0 =	vadd.f32 v1, v0  }
0xa0: {  	v1 =	vld [tilespmem:$0x1E50]  }
0xa1: {  	v0 =	vadd.f32 v2, v0  }
0xa2: {  	v2 =	vld [tilespmem:$0x1E60]  }
0xa3: {  	v0 =	vadd.f32 v3, v0  }
0xa4: {  	v3 =	vld [tilespmem:$0x1E70]  }
0xa5: {  	v0 =	vadd.f32 v1, v0  }
0xa6: {  	v1 =	vld [tilespmem:$0x1E80]  }
0xa7: {  	v0 =	vadd.f32 v2, v0  }
0xa8: {  	v2 =	vld [tilespmem:$0x1E90]  }
0xa9: {  	v0 =	vadd.f32 v3, v0  }
0xaa: {  	v3 =	vld [tilespmem:$0x1EA0]  }
0xab: {  	v0 =	vadd.f32 v1, v0  }
0xac: {  	v1 =	vld [tilespmem:$0x1EB0]  }
0xad: {  	v0 =	vadd.f32 v2, v0  }
0xae: {  	v2 =	vld [tilespmem:$0x1EC0]  }
0xaf: {  	v0 =	vadd.f32 v3, v0  }
0xb0: {  	v3 =	vld [tilespmem:$0x1ED0]  }
0xb1: {  	v0 =	vadd.f32 v1, v0  }
0xb2: {  	v1 =	vld [tilespmem:$0x1EE0]  }
0xb3: {  	v0 =	vadd.f32 v2, v0  }
0xb4: {  	v2 =	vld [tilespmem:$0x1EF0]  }
0xb5: {  	v0 =	vadd.f32 v3, v0  }
0xb6: {  	v3 =	vld [tilespmem:$0x1F00]  }
0xb7: {  	v0 =	vadd.f32 v1, v0  }
0xb8: {  	v1 =	vld [tilespmem:$0x1F10]  }
0xb9: {  	v0 =	vadd.f32 v2, v0  }
0xba: {  	v2 =	vld [tilespmem:$0x1F20]  }
0xbb: {  	v0 =	vadd.f32 v3, v0  }
0xbc: {  	v3 =	vld [tilespmem:$0x1F30]  }
0xbd: {  	v0 =	vadd.f32 v1, v0  }
0xbe: {  	v1 =	vld [tilespmem:$0x1F40]  }
0xbf: {  	v0 =	vadd.f32 v2, v0  }
0xc0: {  	v2 =	vld [tilespmem:$0x1F50]  }
0xc1: {  	v0 =	vadd.f32 v3, v0  }
0xc2: {  	v3 =	vld [tilespmem:$0x1F60]  }
0xc3: {  	v0 =	vadd.f32 v1, v0  }
0xc4: {  	v1 =	vld [tilespmem:$0x1F70]  }
0xc5: {  	v0 =	vadd.f32 v2, v0  }
0xc6: {  	v2 =	vld [tilespmem:$0x1F80]  }
0xc7: {  	v0 =	vadd.f32 v3, v0  }
0xc8: {  	v3 =	vld [tilespmem:$0x1F90]  }
0xc9: {  	v0 =	vadd.f32 v1, v0  }
0xca: {  	v1 =	vld [tilespmem:$0x1FA0]  }
0xcb: {  	v0 =	vadd.f32 v2, v0  }
0xcc: {  	v2 =	vld [tilespmem:$0x1FB0]  }
0xcd: {  	v0 =	vadd.f32 v3, v0  }
0xce: {  	v3 =	vld [tilespmem:$0x1FC0]  }
0xcf: {  	v0 =	vadd.f32 v1, v0  }
0xd0: {  	v1 =	vld [tilespmem:$0x1FD0]  }
0xd1: {  	v0 =	vadd.f32 v2, v0  }
0xd2: {  	v2 =	vld [tilespmem:$0x1FE0]  }
0xd3: {  	v0 =	vadd.f32 v3, v0  }
0xd4: {  	v3 =	vld [tilespmem:$0x1FF0]  }
0xd5: {  	v0 =	vadd.f32 v1, v0  }
0xd6: {  	v1 =	vld [tilespmem:$0x2000]  }
0xd7: {  	v0 =	vadd.f32 v2, v0  }
0xd8: {  	v2 =	vld [tilespmem:$0x2010]  }
0xd9: {  	v0 =	vadd.f32 v3, v0  }
0xda: {  	v3 =	vld [tilespmem:$0x2020]  }
0xdb: {  	v0 =	vadd.f32 v1, v0  }
0xdc: {  	v1 =	vld [tilespmem:$0x2030]  }
0xdd: {  	v0 =	vadd.f32 v2, v0;
	_ =	sdelay $0x1  }
0xde: {  	v0 =	vadd.f32 v3, v0;
	_ =	sdelay $0x1  }
0xdf: {  	v0 =	vadd.f32 v1, v0;
	_ =	sdelay $0x1  }
0xe0: {  	v0 =	vmul.f32 $1.999999960e-02, v0  }
0xe1: {  	p0 =	por $0x0, $0x0  }
0xe2: {  	s16 =	simm.s32 @!p0 $0xD0;
	s17 =	simm.s32 @!p0 $0x64;
	s18 =	simm.s32 @!p0 $0x1A00;
	[tilespmem:s15+$0xFFFFFFF0] =	vst v0  }
0xe3: {  	[tilespmem:s18], [sflag:$0x1] =	stream.indirect.gather @!p0 [hbm4b:s3+s17], $0x10, s16, s17, $0xb8;
	[tilespmem:$0x2E80] =	vst v63  }
0xe4: {  	_ =	swait.ge [sflag:s12], $0x640  }
0xe5: {  	[sflag:s12] =	ssyncset.done $0x0  }
0xe6: {  	[sflag:s12] =	ssyncadd.s32 $0xFFFFF9C0  }
0xe7: {  	v0 =	vld [tilespmem:$0x2040];
	_ =	sdelay $0x1  }
0xe8: {  	v1 =	vld [tilespmem:$0x2050];
	_ =	sdelay $0x1  }
0xe9: {  	v2 =	vld [tilespmem:$0x2060]  }
0xea: {  	v0 =	vadd.f32 $0.0e+00, v0  }
0xeb: {  	v3 =	vld [tilespmem:$0x2070]  }
0xec: {  	v0 =	vadd.f32 v1, v0  }
0xed: {  	v1 =	vld [tilespmem:$0x2080]  }
0xee: {  	v0 =	vadd.f32 v2, v0  }
0xef: {  	v2 =	vld [tilespmem:$0x2090]  }
0xf0: {  	v0 =	vadd.f32 v3, v0  }
0xf1: {  	v3 =	vld [tilespmem:$0x20A0]  }
0xf2: {  	v0 =	vadd.f32 v1, v0  }
0xf3: {  	v1 =	vld [tilespmem:$0x20B0]  }
0xf4: {  	v0 =	vadd.f32 v2, v0  }
0xf5: {  	v2 =	vld [tilespmem:$0x20C0]  }
0xf6: {  	v0 =	vadd.f32 v3, v0  }
0xf7: {  	v3 =	vld [tilespmem:$0x20D0]  }
0xf8: {  	v0 =	vadd.f32 v1, v0  }
0xf9: {  	v1 =	vld [tilespmem:$0x20E0]  }
0xfa: {  	v0 =	vadd.f32 v2, v0  }
0xfb: {  	v2 =	vld [tilespmem:$0x20F0]  }
0xfc: {  	v0 =	vadd.f32 v3, v0  }
0xfd: {  	v3 =	vld [tilespmem:$0x2100]  }
0xfe: {  	v0 =	vadd.f32 v1, v0  }
0xff: {  	v1 =	vld [tilespmem:$0x2110]  }
0x100: {  	v0 =	vadd.f32 v2, v0  }
0x101: {  	v2 =	vld [tilespmem:$0x2120]  }
0x102: {  	v0 =	vadd.f32 v3, v0  }
0x103: {  	v3 =	vld [tilespmem:$0x2130]  }
0x104: {  	v0 =	vadd.f32 v1, v0  }
0x105: {  	v1 =	vld [tilespmem:$0x2140]  }
0x106: {  	v0 =	vadd.f32 v2, v0  }
0x107: {  	v2 =	vld [tilespmem:$0x2150]  }
0x108: {  	v0 =	vadd.f32 v3, v0  }
0x109: {  	v3 =	vld [tilespmem:$0x2160]  }
0x10a: {  	v0 =	vadd.f32 v1, v0  }
0x10b: {  	v1 =	vld [tilespmem:$0x2170]  }
0x10c: {  	v0 =	vadd.f32 v2, v0  }
0x10d: {  	v2 =	vld [tilespmem:$0x2180]  }
0x10e: {  	v0 =	vadd.f32 v3, v0  }
0x10f: {  	v3 =	vld [tilespmem:$0x2190]  }
0x110: {  	v0 =	vadd.f32 v1, v0  }
0x111: {  	v1 =	vld [tilespmem:$0x21A0]  }
0x112: {  	v0 =	vadd.f32 v2, v0  }
0x113: {  	v2 =	vld [tilespmem:$0x21B0]  }
0x114: {  	v0 =	vadd.f32 v3, v0  }
0x115: {  	v3 =	vld [tilespmem:$0x21C0]  }
0x116: {  	v0 =	vadd.f32 v1, v0  }
0x117: {  	v1 =	vld [tilespmem:$0x21D0]  }
0x118: {  	v0 =	vadd.f32 v2, v0  }
0x119: {  	v2 =	vld [tilespmem:$0x21E0]  }
0x11a: {  	v0 =	vadd.f32 v3, v0  }
0x11b: {  	v3 =	vld [tilespmem:$0x21F0]  }
0x11c: {  	v0 =	vadd.f32 v1, v0  }
0x11d: {  	v1 =	vld [tilespmem:$0x2200]  }
0x11e: {  	v0 =	vadd.f32 v2, v0  }
0x11f: {  	v2 =	vld [tilespmem:$0x2210]  }
0x120: {  	v0 =	vadd.f32 v3, v0  }
0x121: {  	v3 =	vld [tilespmem:$0x2220]  }
0x122: {  	v0 =	vadd.f32 v1, v0  }
0x123: {  	v1 =	vld [tilespmem:$0x2230]  }
0x124: {  	v0 =	vadd.f32 v2, v0  }
0x125: {  	v2 =	vld [tilespmem:$0x2240]  }
0x126: {  	v0 =	vadd.f32 v3, v0  }
0x127: {  	v3 =	vld [tilespmem:$0x2250]  }
0x128: {  	v0 =	vadd.f32 v1, v0  }
0x129: {  	v1 =	vld [tilespmem:$0x2260]  }
0x12a: {  	v0 =	vadd.f32 v2, v0  }
0x12b: {  	v2 =	vld [tilespmem:$0x2270]  }
0x12c: {  	v0 =	vadd.f32 v3, v0  }
0x12d: {  	v3 =	vld [tilespmem:$0x2280]  }
0x12e: {  	v0 =	vadd.f32 v1, v0  }
0x12f: {  	v1 =	vld [tilespmem:$0x2290]  }
0x130: {  	v0 =	vadd.f32 v2, v0  }
0x131: {  	v2 =	vld [tilespmem:$0x22A0]  }
0x132: {  	v0 =	vadd.f32 v3, v0  }
0x133: {  	v3 =	vld [tilespmem:$0x22B0]  }
0x134: {  	v0 =	vadd.f32 v1, v0  }
0x135: {  	v1 =	vld [tilespmem:$0x22C0]  }
0x136: {  	v0 =	vadd.f32 v2, v0  }
0x137: {  	v2 =	vld [tilespmem:$0x22D0]  }
0x138: {  	v0 =	vadd.f32 v3, v0  }
0x139: {  	v3 =	vld [tilespmem:$0x22E0]  }
0x13a: {  	v0 =	vadd.f32 v1, v0  }
0x13b: {  	v1 =	vld [tilespmem:$0x22F0]  }
0x13c: {  	v0 =	vadd.f32 v2, v0  }
0x13d: {  	v2 =	vld [tilespmem:$0x2300]  }
0x13e: {  	v0 =	vadd.f32 v3, v0  }
0x13f: {  	v3 =	vld [tilespmem:$0x2310]  }
0x140: {  	v0 =	vadd.f32 v1, v0  }
0x141: {  	v1 =	vld [tilespmem:$0x2320]  }
0x142: {  	v0 =	vadd.f32 v2, v0  }
0x143: {  	v2 =	vld [tilespmem:$0x2330]  }
0x144: {  	v0 =	vadd.f32 v3, v0  }
0x145: {  	v3 =	vld [tilespmem:$0x2340]  }
0x146: {  	v0 =	vadd.f32 v1, v0  }
0x147: {  	v1 =	vld [tilespmem:$0x2350]  }
0x148: {  	v0 =	vadd.f32 v2, v0;
	_ =	sdelay $0x1  }
0x149: {  	v0 =	vadd.f32 v3, v0;
	_ =	sdelay $0x1  }
0x14a: {  	v0 =	vadd.f32 v1, v0;
	_ =	sdelay $0x1  }
0x14b: {  	v0 =	vmul.f32 $1.999999960e-02, v0;
	_ =	sdelay $0x1  }
0x14c: {  	[tilespmem:s15+$0x0] =	vst v0  }
0x14d: {  	v0 =	vld [tilespmem:$0x2360];
	_ =	sdelay $0x1  }
0x14e: {  	v1 =	vld [tilespmem:$0x2370];
	_ =	sdelay $0x1  }
0x14f: {  	v2 =	vld [tilespmem:$0x2380]  }
0x150: {  	v0 =	vadd.f32 $0.0e+00, v0  }
0x151: {  	v3 =	vld [tilespmem:$0x2390]  }
0x152: {  	v0 =	vadd.f32 v1, v0  }
0x153: {  	v1 =	vld [tilespmem:$0x23A0]  }
0x154: {  	v0 =	vadd.f32 v2, v0  }
0x155: {  	v2 =	vld [tilespmem:$0x23B0]  }
0x156: {  	v0 =	vadd.f32 v3, v0  }
0x157: {  	v3 =	vld [tilespmem:$0x23C0]  }
0x158: {  	v0 =	vadd.f32 v1, v0  }
0x159: {  	v1 =	vld [tilespmem:$0x23D0]  }
0x15a: {  	v0 =	vadd.f32 v2, v0  }
0x15b: {  	v2 =	vld [tilespmem:$0x23E0]  }
0x15c: {  	v0 =	vadd.f32 v3, v0  }
0x15d: {  	v3 =	vld [tilespmem:$0x23F0]  }
0x15e: {  	v0 =	vadd.f32 v1, v0  }
0x15f: {  	v1 =	vld [tilespmem:$0x2400]  }
0x160: {  	v0 =	vadd.f32 v2, v0  }
0x161: {  	v2 =	vld [tilespmem:$0x2410]  }
0x162: {  	v0 =	vadd.f32 v3, v0  }
0x163: {  	v3 =	vld [tilespmem:$0x2420]  }
0x164: {  	v0 =	vadd.f32 v1, v0  }
0x165: {  	v1 =	vld [tilespmem:$0x2430]  }
0x166: {  	v0 =	vadd.f32 v2, v0  }
0x167: {  	v2 =	vld [tilespmem:$0x2440]  }
0x168: {  	v0 =	vadd.f32 v3, v0  }
0x169: {  	v3 =	vld [tilespmem:$0x2450]  }
0x16a: {  	v0 =	vadd.f32 v1, v0  }
0x16b: {  	v1 =	vld [tilespmem:$0x2460]  }
0x16c: {  	v0 =	vadd.f32 v2, v0  }
0x16d: {  	v2 =	vld [tilespmem:$0x2470]  }
0x16e: {  	v0 =	vadd.f32 v3, v0  }
0x16f: {  	v3 =	vld [tilespmem:$0x2480]  }
0x170: {  	v0 =	vadd.f32 v1, v0  }
0x171: {  	v1 =	vld [tilespmem:$0x2490]  }
0x172: {  	v0 =	vadd.f32 v2, v0  }
0x173: {  	v2 =	vld [tilespmem:$0x24A0]  }
0x174: {  	v0 =	vadd.f32 v3, v0  }
0x175: {  	v3 =	vld [tilespmem:$0x24B0]  }
0x176: {  	v0 =	vadd.f32 v1, v0  }
0x177: {  	v1 =	vld [tilespmem:$0x24C0]  }
0x178: {  	v0 =	vadd.f32 v2, v0  }
0x179: {  	v2 =	vld [tilespmem:$0x24D0]  }
0x17a: {  	v0 =	vadd.f32 v3, v0  }
0x17b: {  	v3 =	vld [tilespmem:$0x24E0]  }
0x17c: {  	v0 =	vadd.f32 v1, v0  }
0x17d: {  	v1 =	vld [tilespmem:$0x24F0]  }
0x17e: {  	v0 =	vadd.f32 v2, v0  }
0x17f: {  	v2 =	vld [tilespmem:$0x2500]  }
0x180: {  	v0 =	vadd.f32 v3, v0  }
0x181: {  	v3 =	vld [tilespmem:$0x2510]  }
0x182: {  	v0 =	vadd.f32 v1, v0  }
0x183: {  	v1 =	vld [tilespmem:$0x2520]  }
0x184: {  	v0 =	vadd.f32 v2, v0  }
0x185: {  	v2 =	vld [tilespmem:$0x2530]  }
0x186: {  	v0 =	vadd.f32 v3, v0  }
0x187: {  	v3 =	vld [tilespmem:$0x2540]  }
0x188: {  	v0 =	vadd.f32 v1, v0  }
0x189: {  	v1 =	vld [tilespmem:$0x2550]  }
0x18a: {  	v0 =	vadd.f32 v2, v0  }
0x18b: {  	v2 =	vld [tilespmem:$0x2560]  }
0x18c: {  	v0 =	vadd.f32 v3, v0  }
0x18d: {  	v3 =	vld [tilespmem:$0x2570]  }
0x18e: {  	v0 =	vadd.f32 v1, v0  }
0x18f: {  	v1 =	vld [tilespmem:$0x2580]  }
0x190: {  	v0 =	vadd.f32 v2, v0  }
0x191: {  	v2 =	vld [tilespmem:$0x2590]  }
0x192: {  	v0 =	vadd.f32 v3, v0  }
0x193: {  	v3 =	vld [tilespmem:$0x25A0]  }
0x194: {  	v0 =	vadd.f32 v1, v0  }
0x195: {  	v1 =	vld [tilespmem:$0x25B0]  }
0x196: {  	v0 =	vadd.f32 v2, v0  }
0x197: {  	v2 =	vld [tilespmem:$0x25C0]  }
0x198: {  	v0 =	vadd.f32 v3, v0  }
0x199: {  	v3 =	vld [tilespmem:$0x25D0]  }
0x19a: {  	v0 =	vadd.f32 v1, v0  }
0x19b: {  	v1 =	vld [tilespmem:$0x25E0]  }
0x19c: {  	v0 =	vadd.f32 v2, v0  }
0x19d: {  	v2 =	vld [tilespmem:$0x25F0]  }
0x19e: {  	v0 =	vadd.f32 v3, v0  }
0x19f: {  	v3 =	vld [tilespmem:$0x2600]  }
0x1a0: {  	v0 =	vadd.f32 v1, v0  }
0x1a1: {  	v1 =	vld [tilespmem:$0x2610]  }
0x1a2: {  	v0 =	vadd.f32 v2, v0  }
0x1a3: {  	v2 =	vld [tilespmem:$0x2620]  }
0x1a4: {  	v0 =	vadd.f32 v3, v0  }
0x1a5: {  	v3 =	vld [tilespmem:$0x2630]  }
0x1a6: {  	v0 =	vadd.f32 v1, v0  }
0x1a7: {  	v1 =	vld [tilespmem:$0x2640]  }
0x1a8: {  	v0 =	vadd.f32 v2, v0  }
0x1a9: {  	v2 =	vld [tilespmem:$0x2650]  }
0x1aa: {  	v0 =	vadd.f32 v3, v0  }
0x1ab: {  	v3 =	vld [tilespmem:$0x2660]  }
0x1ac: {  	v0 =	vadd.f32 v1, v0  }
0x1ad: {  	v1 =	vld [tilespmem:$0x2670]  }
0x1ae: {  	v0 =	vadd.f32 v2, v0;
	_ =	sdelay $0x1  }
0x1af: {  	v0 =	vadd.f32 v3, v0;
	_ =	sdelay $0x1  }
0x1b0: {  	v0 =	vadd.f32 v1, v0;
	_ =	sdelay $0x1  }
0x1b1: {  	s16 =	simm.s32 $0xFFFF9B40;
	s17 =	simm.s32 $0xFFFF9E80;
	s18 =	simm.s32 $0xFFFFE6D0;
	v0 =	vmul.f32 $1.999999960e-02, v0  }
.LBB2_2:
0x1b2: {  	s19 =	sadd.s32 $0x1A68, s18  }
0x1b3: {  	[tilespmem:s15+$0x10] =	vst v0;
	s15 =	sadd.s32 $0x40, s15;
	s18 =	smov.u32 s17;
	s17 =	sadd.s32 $0x340, s17  }
0x1b4: {  	[tilespmem:s10], [sflag:$0x2] =	stream.indirect.gather [hbm4b:s3+s8], $0x10, s19, s8, $0xb8;
	[tilespmem:$0x2E80] =	vst v63  }
0x1b5: {  	p0 =	sne.s32 s17, $0x0;
	_ =	swait.ge [sflag:s11], $0x640  }
0x1b6: {  	[sflag:s11] =	ssyncset.done $0x0  }
0x1b7: {  	[sflag:s11] =	ssyncadd.s32 $0xFFFFF9C0  }
0x1b8: {  	v0 =	vld [tilespmem:$0x1A00];
	_ =	sdelay $0x1  }
0x1b9: {  	v1 =	vld [tilespmem:$0x1A10];
	_ =	sdelay $0x1  }
0x1ba: {  	v2 =	vld [tilespmem:$0x1A20]  }
0x1bb: {  	v0 =	vadd.f32 $0.0e+00, v0  }
0x1bc: {  	v3 =	vld [tilespmem:$0x1A30]  }
0x1bd: {  	v0 =	vadd.f32 v1, v0  }
0x1be: {  	v1 =	vld [tilespmem:$0x1A40]  }
0x1bf: {  	v0 =	vadd.f32 v2, v0  }
0x1c0: {  	v2 =	vld [tilespmem:$0x1A50]  }
0x1c1: {  	v0 =	vadd.f32 v3, v0  }
0x1c2: {  	v3 =	vld [tilespmem:$0x1A60]  }
0x1c3: {  	v0 =	vadd.f32 v1, v0  }
0x1c4: {  	v1 =	vld [tilespmem:$0x1A70]  }
0x1c5: {  	v0 =	vadd.f32 v2, v0  }
0x1c6: {  	v2 =	vld [tilespmem:$0x1A80]  }
0x1c7: {  	v0 =	vadd.f32 v3, v0  }
0x1c8: {  	v3 =	vld [tilespmem:$0x1A90]  }
0x1c9: {  	v0 =	vadd.f32 v1, v0  }
0x1ca: {  	v1 =	vld [tilespmem:$0x1AA0]  }
0x1cb: {  	v0 =	vadd.f32 v2, v0  }
0x1cc: {  	v2 =	vld [tilespmem:$0x1AB0]  }
0x1cd: {  	v0 =	vadd.f32 v3, v0  }
0x1ce: {  	v3 =	vld [tilespmem:$0x1AC0]  }
0x1cf: {  	v0 =	vadd.f32 v1, v0  }
0x1d0: {  	v1 =	vld [tilespmem:$0x1AD0]  }
0x1d1: {  	v0 =	vadd.f32 v2, v0  }
0x1d2: {  	v2 =	vld [tilespmem:$0x1AE0]  }
0x1d3: {  	v0 =	vadd.f32 v3, v0  }
0x1d4: {  	v3 =	vld [tilespmem:$0x1AF0]  }
0x1d5: {  	v0 =	vadd.f32 v1, v0  }
0x1d6: {  	v1 =	vld [tilespmem:$0x1B00]  }
0x1d7: {  	v0 =	vadd.f32 v2, v0  }
0x1d8: {  	v2 =	vld [tilespmem:$0x1B10]  }
0x1d9: {  	v0 =	vadd.f32 v3, v0  }
0x1da: {  	v3 =	vld [tilespmem:$0x1B20]  }
0x1db: {  	v0 =	vadd.f32 v1, v0  }
0x1dc: {  	v1 =	vld [tilespmem:$0x1B30]  }
0x1dd: {  	v0 =	vadd.f32 v2, v0  }
0x1de: {  	v2 =	vld [tilespmem:$0x1B40]  }
0x1df: {  	v0 =	vadd.f32 v3, v0  }
0x1e0: {  	v3 =	vld [tilespmem:$0x1B50]  }
0x1e1: {  	v0 =	vadd.f32 v1, v0  }
0x1e2: {  	v1 =	vld [tilespmem:$0x1B60]  }
0x1e3: {  	v0 =	vadd.f32 v2, v0  }
0x1e4: {  	v2 =	vld [tilespmem:$0x1B70]  }
0x1e5: {  	v0 =	vadd.f32 v3, v0  }
0x1e6: {  	v3 =	vld [tilespmem:$0x1B80]  }
0x1e7: {  	v0 =	vadd.f32 v1, v0  }
0x1e8: {  	v1 =	vld [tilespmem:$0x1B90]  }
0x1e9: {  	v0 =	vadd.f32 v2, v0  }
0x1ea: {  	v2 =	vld [tilespmem:$0x1BA0]  }
0x1eb: {  	v0 =	vadd.f32 v3, v0  }
0x1ec: {  	v3 =	vld [tilespmem:$0x1BB0]  }
0x1ed: {  	v0 =	vadd.f32 v1, v0  }
0x1ee: {  	v1 =	vld [tilespmem:$0x1BC0]  }
0x1ef: {  	v0 =	vadd.f32 v2, v0  }
0x1f0: {  	v2 =	vld [tilespmem:$0x1BD0]  }
0x1f1: {  	v0 =	vadd.f32 v3, v0  }
0x1f2: {  	v3 =	vld [tilespmem:$0x1BE0]  }
0x1f3: {  	v0 =	vadd.f32 v1, v0  }
0x1f4: {  	v1 =	vld [tilespmem:$0x1BF0]  }
0x1f5: {  	v0 =	vadd.f32 v2, v0  }
0x1f6: {  	v2 =	vld [tilespmem:$0x1C00]  }
0x1f7: {  	v0 =	vadd.f32 v3, v0  }
0x1f8: {  	v3 =	vld [tilespmem:$0x1C10]  }
0x1f9: {  	v0 =	vadd.f32 v1, v0  }
0x1fa: {  	v1 =	vld [tilespmem:$0x1C20]  }
0x1fb: {  	v0 =	vadd.f32 v2, v0  }
0x1fc: {  	v2 =	vld [tilespmem:$0x1C30]  }
0x1fd: {  	v0 =	vadd.f32 v3, v0  }
0x1fe: {  	v3 =	vld [tilespmem:$0x1C40]  }
0x1ff: {  	v0 =	vadd.f32 v1, v0  }
0x200: {  	v1 =	vld [tilespmem:$0x1C50]  }
0x201: {  	v0 =	vadd.f32 v2, v0  }
0x202: {  	v2 =	vld [tilespmem:$0x1C60]  }
0x203: {  	v0 =	vadd.f32 v3, v0  }
0x204: {  	v3 =	vld [tilespmem:$0x1C70]  }
0x205: {  	v0 =	vadd.f32 v1, v0  }
0x206: {  	v1 =	vld [tilespmem:$0x1C80]  }
0x207: {  	v0 =	vadd.f32 v2, v0  }
0x208: {  	v2 =	vld [tilespmem:$0x1C90]  }
0x209: {  	v0 =	vadd.f32 v3, v0  }
0x20a: {  	v3 =	vld [tilespmem:$0x1CA0]  }
0x20b: {  	v0 =	vadd.f32 v1, v0  }
0x20c: {  	v1 =	vld [tilespmem:$0x1CB0]  }
0x20d: {  	v0 =	vadd.f32 v2, v0  }
0x20e: {  	v2 =	vld [tilespmem:$0x1CC0]  }
0x20f: {  	v0 =	vadd.f32 v3, v0  }
0x210: {  	v3 =	vld [tilespmem:$0x1CD0]  }
0x211: {  	v0 =	vadd.f32 v1, v0  }
0x212: {  	v1 =	vld [tilespmem:$0x1CE0]  }
0x213: {  	v0 =	vadd.f32 v2, v0  }
0x214: {  	v2 =	vld [tilespmem:$0x1CF0]  }
0x215: {  	v0 =	vadd.f32 v3, v0  }
0x216: {  	v3 =	vld [tilespmem:$0x1D00]  }
0x217: {  	v0 =	vadd.f32 v1, v0  }
0x218: {  	v1 =	vld [tilespmem:$0x1D10]  }
0x219: {  	v0 =	vadd.f32 v2, v0;
	_ =	sdelay $0x1  }
0x21a: {  	v0 =	vadd.f32 v3, v0;
	_ =	sdelay $0x1  }
0x21b: {  	v0 =	vadd.f32 v1, v0;
	_ =	sdelay $0x1  }
0x21c: {  	v0 =	vmul.f32 $1.999999960e-02, v0;
	_ =	sdelay $0x1  }
0x21d: {  	[tilespmem:s15+$0xFFFFFFE0] =	vst v0  }
0x21e: {  	v0 =	vld [tilespmem:$0x1D20];
	_ =	sdelay $0x1  }
0x21f: {  	v1 =	vld [tilespmem:$0x1D30];
	_ =	sdelay $0x1  }
0x220: {  	v2 =	vld [tilespmem:$0x1D40]  }
0x221: {  	v0 =	vadd.f32 $0.0e+00, v0  }
0x222: {  	v3 =	vld [tilespmem:$0x1D50]  }
0x223: {  	v0 =	vadd.f32 v1, v0  }
0x224: {  	v1 =	vld [tilespmem:$0x1D60]  }
0x225: {  	v0 =	vadd.f32 v2, v0  }
0x226: {  	v2 =	vld [tilespmem:$0x1D70]  }
0x227: {  	v0 =	vadd.f32 v3, v0  }
0x228: {  	v3 =	vld [tilespmem:$0x1D80]  }
0x229: {  	v0 =	vadd.f32 v1, v0  }
0x22a: {  	v1 =	vld [tilespmem:$0x1D90]  }
0x22b: {  	v0 =	vadd.f32 v2, v0  }
0x22c: {  	v2 =	vld [tilespmem:$0x1DA0]  }
0x22d: {  	v0 =	vadd.f32 v3, v0  }
0x22e: {  	v3 =	vld [tilespmem:$0x1DB0]  }
0x22f: {  	v0 =	vadd.f32 v1, v0  }
0x230: {  	v1 =	vld [tilespmem:$0x1DC0]  }
0x231: {  	v0 =	vadd.f32 v2, v0  }
0x232: {  	v2 =	vld [tilespmem:$0x1DD0]  }
0x233: {  	v0 =	vadd.f32 v3, v0  }
0x234: {  	v3 =	vld [tilespmem:$0x1DE0]  }
0x235: {  	v0 =	vadd.f32 v1, v0  }
0x236: {  	v1 =	vld [tilespmem:$0x1DF0]  }
0x237: {  	v0 =	vadd.f32 v2, v0  }
0x238: {  	v2 =	vld [tilespmem:$0x1E00]  }
0x239: {  	v0 =	vadd.f32 v3, v0  }
0x23a: {  	v3 =	vld [tilespmem:$0x1E10]  }
0x23b: {  	v0 =	vadd.f32 v1, v0  }
0x23c: {  	v1 =	vld [tilespmem:$0x1E20]  }
0x23d: {  	v0 =	vadd.f32 v2, v0  }
0x23e: {  	v2 =	vld [tilespmem:$0x1E30]  }
0x23f: {  	v0 =	vadd.f32 v3, v0  }
0x240: {  	v3 =	vld [tilespmem:$0x1E40]  }
0x241: {  	v0 =	vadd.f32 v1, v0  }
0x242: {  	v1 =	vld [tilespmem:$0x1E50]  }
0x243: {  	v0 =	vadd.f32 v2, v0  }
0x244: {  	v2 =	vld [tilespmem:$0x1E60]  }
0x245: {  	v0 =	vadd.f32 v3, v0  }
0x246: {  	v3 =	vld [tilespmem:$0x1E70]  }
0x247: {  	v0 =	vadd.f32 v1, v0  }
0x248: {  	v1 =	vld [tilespmem:$0x1E80]  }
0x249: {  	v0 =	vadd.f32 v2, v0  }
0x24a: {  	v2 =	vld [tilespmem:$0x1E90]  }
0x24b: {  	v0 =	vadd.f32 v3, v0  }
0x24c: {  	v3 =	vld [tilespmem:$0x1EA0]  }
0x24d: {  	v0 =	vadd.f32 v1, v0  }
0x24e: {  	v1 =	vld [tilespmem:$0x1EB0]  }
0x24f: {  	v0 =	vadd.f32 v2, v0  }
0x250: {  	v2 =	vld [tilespmem:$0x1EC0]  }
0x251: {  	v0 =	vadd.f32 v3, v0  }
0x252: {  	v3 =	vld [tilespmem:$0x1ED0]  }
0x253: {  	v0 =	vadd.f32 v1, v0  }
0x254: {  	v1 =	vld [tilespmem:$0x1EE0]  }
0x255: {  	v0 =	vadd.f32 v2, v0  }
0x256: {  	v2 =	vld [tilespmem:$0x1EF0]  }
0x257: {  	v0 =	vadd.f32 v3, v0  }
0x258: {  	v3 =	vld [tilespmem:$0x1F00]  }
0x259: {  	v0 =	vadd.f32 v1, v0  }
0x25a: {  	v1 =	vld [tilespmem:$0x1F10]  }
0x25b: {  	v0 =	vadd.f32 v2, v0  }
0x25c: {  	v2 =	vld [tilespmem:$0x1F20]  }
0x25d: {  	v0 =	vadd.f32 v3, v0  }
0x25e: {  	v3 =	vld [tilespmem:$0x1F30]  }
0x25f: {  	v0 =	vadd.f32 v1, v0  }
0x260: {  	v1 =	vld [tilespmem:$0x1F40]  }
0x261: {  	v0 =	vadd.f32 v2, v0  }
0x262: {  	v2 =	vld [tilespmem:$0x1F50]  }
0x263: {  	v0 =	vadd.f32 v3, v0  }
0x264: {  	v3 =	vld [tilespmem:$0x1F60]  }
0x265: {  	v0 =	vadd.f32 v1, v0  }
0x266: {  	v1 =	vld [tilespmem:$0x1F70]  }
0x267: {  	v0 =	vadd.f32 v2, v0  }
0x268: {  	v2 =	vld [tilespmem:$0x1F80]  }
0x269: {  	v0 =	vadd.f32 v3, v0  }
0x26a: {  	v3 =	vld [tilespmem:$0x1F90]  }
0x26b: {  	v0 =	vadd.f32 v1, v0  }
0x26c: {  	v1 =	vld [tilespmem:$0x1FA0]  }
0x26d: {  	v0 =	vadd.f32 v2, v0  }
0x26e: {  	v2 =	vld [tilespmem:$0x1FB0]  }
0x26f: {  	v0 =	vadd.f32 v3, v0  }
0x270: {  	v3 =	vld [tilespmem:$0x1FC0]  }
0x271: {  	v0 =	vadd.f32 v1, v0  }
0x272: {  	v1 =	vld [tilespmem:$0x1FD0]  }
0x273: {  	v0 =	vadd.f32 v2, v0  }
0x274: {  	v2 =	vld [tilespmem:$0x1FE0]  }
0x275: {  	v0 =	vadd.f32 v3, v0  }
0x276: {  	v3 =	vld [tilespmem:$0x1FF0]  }
0x277: {  	v0 =	vadd.f32 v1, v0  }
0x278: {  	v1 =	vld [tilespmem:$0x2000]  }
0x279: {  	v0 =	vadd.f32 v2, v0  }
0x27a: {  	v2 =	vld [tilespmem:$0x2010]  }
0x27b: {  	v0 =	vadd.f32 v3, v0  }
0x27c: {  	v3 =	vld [tilespmem:$0x2020]  }
0x27d: {  	v0 =	vadd.f32 v1, v0  }
0x27e: {  	v1 =	vld [tilespmem:$0x2030]  }
0x27f: {  	v0 =	vadd.f32 v2, v0;
	_ =	sdelay $0x1  }
0x280: {  	v0 =	vadd.f32 v3, v0;
	_ =	sdelay $0x1  }
0x281: {  	v0 =	vadd.f32 v1, v0;
	_ =	sdelay $0x1  }
0x282: {  	p1 =	seq.s32 s16, $0xFFFFFCC0;
	v0 =	vmul.f32 $1.999999960e-02, v0  }
0x283: {  	s19 =	sshra.s32 @!p1 s16, $0x2;
	s16 =	smov.u32 s18  }
0x284: {  	s20 =	simm.s32 @!p1 $0x1A00;
	s18 =	sadd.s32 @!p1 $0x1AD0, s19;
	s19 =	simm.s32 @!p1 $0x64;
	[tilespmem:s15+$0xFFFFFFF0] =	vst v0  }
0x285: {  	[tilespmem:s20], [sflag:$0x1] =	stream.indirect.gather @!p1 [hbm4b:s3+s19], $0x10, s18, s19, $0xb8;
	[tilespmem:$0x2E80] =	vst v63  }
0x286: {  	_ =	swait.ge [sflag:s12], $0x640  }
0x287: {  	[sflag:s12] =	ssyncset.done $0x0  }
0x288: {  	[sflag:s12] =	ssyncadd.s32 $0xFFFFF9C0  }
0x289: {  	v0 =	vld [tilespmem:$0x2040];
	_ =	sdelay $0x1  }
0x28a: {  	v1 =	vld [tilespmem:$0x2050];
	_ =	sdelay $0x1  }
0x28b: {  	v2 =	vld [tilespmem:$0x2060]  }
0x28c: {  	v0 =	vadd.f32 $0.0e+00, v0  }
0x28d: {  	v3 =	vld [tilespmem:$0x2070]  }
0x28e: {  	v0 =	vadd.f32 v1, v0  }
0x28f: {  	v1 =	vld [tilespmem:$0x2080]  }
0x290: {  	v0 =	vadd.f32 v2, v0  }
0x291: {  	v2 =	vld [tilespmem:$0x2090]  }
0x292: {  	v0 =	vadd.f32 v3, v0  }
0x293: {  	v3 =	vld [tilespmem:$0x20A0]  }
0x294: {  	v0 =	vadd.f32 v1, v0  }
0x295: {  	v1 =	vld [tilespmem:$0x20B0]  }
0x296: {  	v0 =	vadd.f32 v2, v0  }
0x297: {  	v2 =	vld [tilespmem:$0x20C0]  }
0x298: {  	v0 =	vadd.f32 v3, v0  }
0x299: {  	v3 =	vld [tilespmem:$0x20D0]  }
0x29a: {  	v0 =	vadd.f32 v1, v0  }
0x29b: {  	v1 =	vld [tilespmem:$0x20E0]  }
0x29c: {  	v0 =	vadd.f32 v2, v0  }
0x29d: {  	v2 =	vld [tilespmem:$0x20F0]  }
0x29e: {  	v0 =	vadd.f32 v3, v0  }
0x29f: {  	v3 =	vld [tilespmem:$0x2100]  }
0x2a0: {  	v0 =	vadd.f32 v1, v0  }
0x2a1: {  	v1 =	vld [tilespmem:$0x2110]  }
0x2a2: {  	v0 =	vadd.f32 v2, v0  }
0x2a3: {  	v2 =	vld [tilespmem:$0x2120]  }
0x2a4: {  	v0 =	vadd.f32 v3, v0  }
0x2a5: {  	v3 =	vld [tilespmem:$0x2130]  }
0x2a6: {  	v0 =	vadd.f32 v1, v0  }
0x2a7: {  	v1 =	vld [tilespmem:$0x2140]  }
0x2a8: {  	v0 =	vadd.f32 v2, v0  }
0x2a9: {  	v2 =	vld [tilespmem:$0x2150]  }
0x2aa: {  	v0 =	vadd.f32 v3, v0  }
0x2ab: {  	v3 =	vld [tilespmem:$0x2160]  }
0x2ac: {  	v0 =	vadd.f32 v1, v0  }
0x2ad: {  	v1 =	vld [tilespmem:$0x2170]  }
0x2ae: {  	v0 =	vadd.f32 v2, v0  }
0x2af: {  	v2 =	vld [tilespmem:$0x2180]  }
0x2b0: {  	v0 =	vadd.f32 v3, v0  }
0x2b1: {  	v3 =	vld [tilespmem:$0x2190]  }
0x2b2: {  	v0 =	vadd.f32 v1, v0  }
0x2b3: {  	v1 =	vld [tilespmem:$0x21A0]  }
0x2b4: {  	v0 =	vadd.f32 v2, v0  }
0x2b5: {  	v2 =	vld [tilespmem:$0x21B0]  }
0x2b6: {  	v0 =	vadd.f32 v3, v0  }
0x2b7: {  	v3 =	vld [tilespmem:$0x21C0]  }
0x2b8: {  	v0 =	vadd.f32 v1, v0  }
0x2b9: {  	v1 =	vld [tilespmem:$0x21D0]  }
0x2ba: {  	v0 =	vadd.f32 v2, v0  }
0x2bb: {  	v2 =	vld [tilespmem:$0x21E0]  }
0x2bc: {  	v0 =	vadd.f32 v3, v0  }
0x2bd: {  	v3 =	vld [tilespmem:$0x21F0]  }
0x2be: {  	v0 =	vadd.f32 v1, v0  }
0x2bf: {  	v1 =	vld [tilespmem:$0x2200]  }
0x2c0: {  	v0 =	vadd.f32 v2, v0  }
0x2c1: {  	v2 =	vld [tilespmem:$0x2210]  }
0x2c2: {  	v0 =	vadd.f32 v3, v0  }
0x2c3: {  	v3 =	vld [tilespmem:$0x2220]  }
0x2c4: {  	v0 =	vadd.f32 v1, v0  }
0x2c5: {  	v1 =	vld [tilespmem:$0x2230]  }
0x2c6: {  	v0 =	vadd.f32 v2, v0  }
0x2c7: {  	v2 =	vld [tilespmem:$0x2240]  }
0x2c8: {  	v0 =	vadd.f32 v3, v0  }
0x2c9: {  	v3 =	vld [tilespmem:$0x2250]  }
0x2ca: {  	v0 =	vadd.f32 v1, v0  }
0x2cb: {  	v1 =	vld [tilespmem:$0x2260]  }
0x2cc: {  	v0 =	vadd.f32 v2, v0  }
0x2cd: {  	v2 =	vld [tilespmem:$0x2270]  }
0x2ce: {  	v0 =	vadd.f32 v3, v0  }
0x2cf: {  	v3 =	vld [tilespmem:$0x2280]  }
0x2d0: {  	v0 =	vadd.f32 v1, v0  }
0x2d1: {  	v1 =	vld [tilespmem:$0x2290]  }
0x2d2: {  	v0 =	vadd.f32 v2, v0  }
0x2d3: {  	v2 =	vld [tilespmem:$0x22A0]  }
0x2d4: {  	v0 =	vadd.f32 v3, v0  }
0x2d5: {  	v3 =	vld [tilespmem:$0x22B0]  }
0x2d6: {  	v0 =	vadd.f32 v1, v0  }
0x2d7: {  	v1 =	vld [tilespmem:$0x22C0]  }
0x2d8: {  	v0 =	vadd.f32 v2, v0  }
0x2d9: {  	v2 =	vld [tilespmem:$0x22D0]  }
0x2da: {  	v0 =	vadd.f32 v3, v0  }
0x2db: {  	v3 =	vld [tilespmem:$0x22E0]  }
0x2dc: {  	v0 =	vadd.f32 v1, v0  }
0x2dd: {  	v1 =	vld [tilespmem:$0x22F0]  }
0x2de: {  	v0 =	vadd.f32 v2, v0  }
0x2df: {  	v2 =	vld [tilespmem:$0x2300]  }
0x2e0: {  	v0 =	vadd.f32 v3, v0  }
0x2e1: {  	v3 =	vld [tilespmem:$0x2310]  }
0x2e2: {  	v0 =	vadd.f32 v1, v0  }
0x2e3: {  	v1 =	vld [tilespmem:$0x2320]  }
0x2e4: {  	v0 =	vadd.f32 v2, v0  }
0x2e5: {  	v2 =	vld [tilespmem:$0x2330]  }
0x2e6: {  	v0 =	vadd.f32 v3, v0  }
0x2e7: {  	v3 =	vld [tilespmem:$0x2340]  }
0x2e8: {  	v0 =	vadd.f32 v1, v0  }
0x2e9: {  	v1 =	vld [tilespmem:$0x2350]  }
0x2ea: {  	v0 =	vadd.f32 v2, v0;
	_ =	sdelay $0x1  }
0x2eb: {  	v0 =	vadd.f32 v3, v0;
	_ =	sdelay $0x1  }
0x2ec: {  	v0 =	vadd.f32 v1, v0;
	_ =	sdelay $0x1  }
0x2ed: {  	v0 =	vmul.f32 $1.999999960e-02, v0;
	_ =	sdelay $0x1  }
0x2ee: {  	[tilespmem:s15+$0x0] =	vst v0  }
0x2ef: {  	v0 =	vld [tilespmem:$0x2360]  }
0x2f0: {  	v1 =	vld [tilespmem:$0x2370]  }
0x2f1: {  	v2 =	vld [tilespmem:$0x2380]  }
0x2f2: {  	v3 =	vld [tilespmem:$0x2390]  }
0x2f3: {  	v4 =	vld [tilespmem:$0x23A0]  }
0x2f4: {  	v0 =	vadd.f32 $0.0e+00, v0;
	v5 =	vld [tilespmem:$0x23B0]  }
0x2f5: {  	v6 =	vld [tilespmem:$0x23C0]  }
0x2f6: {  	v0 =	vadd.f32 v1, v0;
	v1 =	vld [tilespmem:$0x23D0]  }
0x2f7: {  	v7 =	vld [tilespmem:$0x23E0]  }
0x2f8: {  	v0 =	vadd.f32 v2, v0;
	v2 =	vld [tilespmem:$0x23F0]  }
0x2f9: {  	v8 =	vld [tilespmem:$0x2400]  }
0x2fa: {  	v0 =	vadd.f32 v3, v0;
	v3 =	vld [tilespmem:$0x2410]  }
0x2fb: {  	v9 =	vld [tilespmem:$0x2420]  }
0x2fc: {  	v0 =	vadd.f32 v4, v0;
	v4 =	vld [tilespmem:$0x2430]  }
0x2fd: {  	v10 =	vld [tilespmem:$0x2440]  }
0x2fe: {  	v0 =	vadd.f32 v5, v0;
	v5 =	vld [tilespmem:$0x2450]  }
0x2ff: {  	v11 =	vld [tilespmem:$0x2460]  }
0x300: {  	v0 =	vadd.f32 v6, v0;
	v6 =	vld [tilespmem:$0x2470]  }
0x301: {  	v12 =	vld [tilespmem:$0x2480]  }
0x302: {  	v0 =	vadd.f32 v1, v0;
	v1 =	vld [tilespmem:$0x2490]  }
0x303: {  	v13 =	vld [tilespmem:$0x24A0]  }
0x304: {  	v0 =	vadd.f32 v7, v0;
	v7 =	vld [tilespmem:$0x24B0]  }
0x305: {  	v14 =	vld [tilespmem:$0x24C0]  }
0x306: {  	v0 =	vadd.f32 v2, v0;
	v2 =	vld [tilespmem:$0x24D0]  }
0x307: {  	v15 =	vld [tilespmem:$0x24E0]  }
0x308: {  	v0 =	vadd.f32 v8, v0;
	v8 =	vld [tilespmem:$0x24F0]  }
0x309: {  	v16 =	vld [tilespmem:$0x2500]  }
0x30a: {  	v0 =	vadd.f32 v3, v0;
	v3 =	vld [tilespmem:$0x2510]  }
0x30b: {  	v17 =	vld [tilespmem:$0x2520]  }
0x30c: {  	v0 =	vadd.f32 v9, v0;
	v9 =	vld [tilespmem:$0x2530]  }
0x30d: {  	v18 =	vld [tilespmem:$0x2540]  }
0x30e: {  	v0 =	vadd.f32 v4, v0;
	v4 =	vld [tilespmem:$0x2550]  }
0x30f: {  	v19 =	vld [tilespmem:$0x2560]  }
0x310: {  	v0 =	vadd.f32 v10, v0;
	v10 =	vld [tilespmem:$0x2570]  }
0x311: {  	v20 =	vld [tilespmem:$0x2580]  }
0x312: {  	v0 =	vadd.f32 v5, v0;
	v5 =	vld [tilespmem:$0x2590]  }
0x313: {  	v21 =	vld [tilespmem:$0x25A0]  }
0x314: {  	v0 =	vadd.f32 v11, v0;
	v11 =	vld [tilespmem:$0x25B0]  }
0x315: {  	v22 =	vld [tilespmem:$0x25C0]  }
0x316: {  	v0 =	vadd.f32 v6, v0;
	v6 =	vld [tilespmem:$0x25D0]  }
0x317: {  	v23 =	vld [tilespmem:$0x25E0]  }
0x318: {  	v0 =	vadd.f32 v12, v0;
	v12 =	vld [tilespmem:$0x25F0]  }
0x319: {  	v24 =	vld [tilespmem:$0x2600]  }
0x31a: {  	v0 =	vadd.f32 v1, v0;
	v1 =	vld [tilespmem:$0x2610]  }
0x31b: {  	v25 =	vld [tilespmem:$0x2620]  }
0x31c: {  	v0 =	vadd.f32 v13, v0;
	v13 =	vld [tilespmem:$0x2630]  }
0x31d: {  	v26 =	vld [tilespmem:$0x2640]  }
0x31e: {  	v0 =	vadd.f32 v7, v0;
	v7 =	vld [tilespmem:$0x2650]  }
0x31f: {  	v27 =	vld [tilespmem:$0x2660]  }
0x320: {  	v0 =	vadd.f32 v14, v0;
	v14 =	vld [tilespmem:$0x2670];
	_ =	sdelay $0x1  }
0x321: {  	v0 =	vadd.f32 v2, v0;
	_ =	sdelay $0x1  }
0x322: {  	v0 =	vadd.f32 v15, v0;
	_ =	sdelay $0x1  }
0x323: {  	v0 =	vadd.f32 v8, v0;
	_ =	sdelay $0x1  }
0x324: {  	v0 =	vadd.f32 v16, v0;
	_ =	sdelay $0x1  }
0x325: {  	v0 =	vadd.f32 v3, v0;
	_ =	sdelay $0x1  }
0x326: {  	v0 =	vadd.f32 v17, v0;
	_ =	sdelay $0x1  }
0x327: {  	v0 =	vadd.f32 v9, v0;
	_ =	sdelay $0x1  }
0x328: {  	v0 =	vadd.f32 v18, v0;
	_ =	sdelay $0x1  }
0x329: {  	v0 =	vadd.f32 v4, v0;
	_ =	sdelay $0x1  }
0x32a: {  	v0 =	vadd.f32 v19, v0;
	_ =	sdelay $0x1  }
0x32b: {  	v0 =	vadd.f32 v10, v0;
	_ =	sdelay $0x1  }
0x32c: {  	v0 =	vadd.f32 v20, v0;
	_ =	sdelay $0x1  }
0x32d: {  	v0 =	vadd.f32 v5, v0;
	_ =	sdelay $0x1  }
0x32e: {  	v0 =	vadd.f32 v21, v0;
	_ =	sdelay $0x1  }
0x32f: {  	v0 =	vadd.f32 v11, v0;
	_ =	sdelay $0x1  }
0x330: {  	v0 =	vadd.f32 v22, v0;
	_ =	sdelay $0x1  }
0x331: {  	v0 =	vadd.f32 v6, v0;
	_ =	sdelay $0x1  }
0x332: {  	v0 =	vadd.f32 v23, v0;
	_ =	sdelay $0x1  }
0x333: {  	v0 =	vadd.f32 v12, v0;
	_ =	sdelay $0x1  }
0x334: {  	v0 =	vadd.f32 v24, v0;
	_ =	sdelay $0x1  }
0x335: {  	v0 =	vadd.f32 v1, v0;
	_ =	sdelay $0x1  }
0x336: {  	v0 =	vadd.f32 v25, v0;
	_ =	sdelay $0x1  }
0x337: {  	v0 =	vadd.f32 v13, v0;
	_ =	sdelay $0x1  }
0x338: {  	v0 =	vadd.f32 v26, v0;
	_ =	sdelay $0x1  }
0x339: {  	v0 =	vadd.f32 v7, v0;
	_ =	sdelay $0x1  }
0x33a: {  	v0 =	vadd.f32 v27, v0  }
.Ltmp0:
0x33b: {  	(pc) =	sbr.rel @p0 .LBB2_2-.Ltmp0, $3  }
0x33c: {  	v0 =	vadd.f32 v14, v0;
	_ =	sdelay $0x1  }
0x33d: {  	v0 =	vmul.f32 $1.999999960e-02, v0  }
0x33e: {  	s18 =	sshra.s32 s16, $0x2  }
0x33f: {  	s17 =	sadd.s32 $0x1A68, s18;
	[tilespmem:s15+$0x10] =	vst v0  }
0x340: {  	[tilespmem:s10], [sflag:$0x2] =	stream.indirect.gather [hbm4b:s3+s8], $0x10, s17, s8, $0xb8;
	[tilespmem:$0x2E80] =	vst v63  }
0x341: {  	_ =	swait.ge [sflag:s11], $0x640  }
0x342: {  	[sflag:s11] =	ssyncset.done $0x0  }
0x343: {  	[sflag:s11] =	ssyncadd.s32 $0xFFFFF9C0  }
0x344: {  	v43 =	vld [tilespmem:$0x1A00];
	_ =	sdelay $0x1  }
0x345: {  	v1 =	vld [tilespmem:$0x1A10];
	_ =	sdelay $0x1  }
0x346: {  	v2 =	vld [tilespmem:$0x1A20]  }
0x347: {  	v0 =	vadd.f32 $0.0e+00, v43  }
0x348: {  	v3 =	vld [tilespmem:$0x1A30]  }
0x349: {  	v0 =	vadd.f32 v1, v0  }
0x34a: {  	v44 =	vld [tilespmem:$0x1A40]  }
0x34b: {  	v0 =	vadd.f32 v2, v0  }
0x34c: {  	v45 =	vld [tilespmem:$0x1A50]  }
0x34d: {  	v0 =	vadd.f32 v3, v0  }
0x34e: {  	v46 =	vld [tilespmem:$0x1A60]  }
0x34f: {  	v0 =	vadd.f32 v44, v0  }
0x350: {  	v47 =	vld [tilespmem:$0x1A70]  }
0x351: {  	v0 =	vadd.f32 v45, v0  }
0x352: {  	v48 =	vld [tilespmem:$0x1A80]  }
0x353: {  	v0 =	vadd.f32 v46, v0  }
0x354: {  	v49 =	vld [tilespmem:$0x1A90]  }
0x355: {  	v0 =	vadd.f32 v47, v0  }
0x356: {  	v50 =	vld [tilespmem:$0x1AA0]  }
0x357: {  	v0 =	vadd.f32 v48, v0  }
0x358: {  	v51 =	vld [tilespmem:$0x1AB0]  }
0x359: {  	v0 =	vadd.f32 v49, v0  }
0x35a: {  	v52 =	vld [tilespmem:$0x1AC0]  }
0x35b: {  	v0 =	vadd.f32 v50, v0  }
0x35c: {  	v53 =	vld [tilespmem:$0x1AD0]  }
0x35d: {  	v0 =	vadd.f32 v51, v0  }
0x35e: {  	v54 =	vld [tilespmem:$0x1AE0]  }
0x35f: {  	v0 =	vadd.f32 v52, v0  }
0x360: {  	v55 =	vld [tilespmem:$0x1AF0]  }
0x361: {  	v0 =	vadd.f32 v53, v0  }
0x362: {  	v56 =	vld [tilespmem:$0x1B00]  }
0x363: {  	v0 =	vadd.f32 v54, v0  }
0x364: {  	v57 =	vld [tilespmem:$0x1B10]  }
0x365: {  	v0 =	vadd.f32 v55, v0  }
0x366: {  	v58 =	vld [tilespmem:$0x1B20]  }
0x367: {  	v0 =	vadd.f32 v56, v0  }
0x368: {  	v59 =	vld [tilespmem:$0x1B30]  }
0x369: {  	v0 =	vadd.f32 v57, v0  }
0x36a: {  	v60 =	vld [tilespmem:$0x1B40]  }
0x36b: {  	v0 =	vadd.f32 v58, v0  }
0x36c: {  	v61 =	vld [tilespmem:$0x1B50]  }
0x36d: {  	v0 =	vadd.f32 v59, v0  }
0x36e: {  	v62 =	vld [tilespmem:$0x1B60]  }
0x36f: {  	v0 =	vadd.f32 v60, v0  }
0x370: {  	v63 =	vld [tilespmem:$0x1B70]  }
0x371: {  	v0 =	vadd.f32 v61, v0  }
0x372: {  	v6 =	vld [tilespmem:$0x1B80]  }
0x373: {  	v0 =	vadd.f32 v62, v0  }
0x374: {  	v7 =	vld [tilespmem:$0x1B90]  }
0x375: {  	v0 =	vadd.f32 v63, v0  }
0x376: {  	v8 =	vld [tilespmem:$0x1BA0]  }
0x377: {  	v0 =	vadd.f32 v6, v0  }
0x378: {  	v9 =	vld [tilespmem:$0x1BB0]  }
0x379: {  	v0 =	vadd.f32 v7, v0  }
0x37a: {  	v10 =	vld [tilespmem:$0x1BC0]  }
0x37b: {  	v0 =	vadd.f32 v8, v0  }
0x37c: {  	v11 =	vld [tilespmem:$0x1BD0]  }
0x37d: {  	v0 =	vadd.f32 v9, v0  }
0x37e: {  	v12 =	vld [tilespmem:$0x1BE0]  }
0x37f: {  	v0 =	vadd.f32 v10, v0  }
0x380: {  	v13 =	vld [tilespmem:$0x1BF0]  }
0x381: {  	v0 =	vadd.f32 v11, v0  }
0x382: {  	v14 =	vld [tilespmem:$0x1C00]  }
0x383: {  	v0 =	vadd.f32 v12, v0  }
0x384: {  	v15 =	vld [tilespmem:$0x1C10]  }
0x385: {  	v0 =	vadd.f32 v13, v0  }
0x386: {  	v16 =	vld [tilespmem:$0x1C20]  }
0x387: {  	v0 =	vadd.f32 v14, v0  }
0x388: {  	v17 =	vld [tilespmem:$0x1C30]  }
0x389: {  	v0 =	vadd.f32 v15, v0  }
0x38a: {  	v18 =	vld [tilespmem:$0x1C40]  }
0x38b: {  	v0 =	vadd.f32 v16, v0  }
0x38c: {  	v19 =	vld [tilespmem:$0x1C50]  }
0x38d: {  	v0 =	vadd.f32 v17, v0  }
0x38e: {  	v20 =	vld [tilespmem:$0x1C60]  }
0x38f: {  	v0 =	vadd.f32 v18, v0  }
0x390: {  	v21 =	vld [tilespmem:$0x1C70]  }
0x391: {  	v0 =	vadd.f32 v19, v0  }
0x392: {  	v22 =	vld [tilespmem:$0x1C80]  }
0x393: {  	v0 =	vadd.f32 v20, v0  }
0x394: {  	v23 =	vld [tilespmem:$0x1C90]  }
0x395: {  	v0 =	vadd.f32 v21, v0  }
0x396: {  	v24 =	vld [tilespmem:$0x1CA0]  }
0x397: {  	v0 =	vadd.f32 v22, v0  }
0x398: {  	v25 =	vld [tilespmem:$0x1CB0]  }
0x399: {  	v0 =	vadd.f32 v23, v0  }
0x39a: {  	v26 =	vld [tilespmem:$0x1CC0]  }
0x39b: {  	v0 =	vadd.f32 v24, v0  }
0x39c: {  	v27 =	vld [tilespmem:$0x1CD0]  }
0x39d: {  	v0 =	vadd.f32 v25, v0  }
0x39e: {  	v28 =	vld [tilespmem:$0x1CE0]  }
0x39f: {  	v0 =	vadd.f32 v26, v0  }
0x3a0: {  	v29 =	vld [tilespmem:$0x1CF0]  }
0x3a1: {  	v0 =	vadd.f32 v27, v0  }
0x3a2: {  	v30 =	vld [tilespmem:$0x1D00]  }
0x3a3: {  	v0 =	vadd.f32 v28, v0  }
0x3a4: {  	v31 =	vld [tilespmem:$0x1D10]  }
0x3a5: {  	v0 =	vadd.f32 v29, v0;
	_ =	sdelay $0x1  }
0x3a6: {  	v0 =	vadd.f32 v30, v0;
	_ =	sdelay $0x1  }
0x3a7: {  	v0 =	vadd.f32 v31, v0;
	_ =	sdelay $0x1  }
0x3a8: {  	v0 =	vmul.f32 $1.999999960e-02, v0  }
0x3a9: {  	s31 =	sadd.s32 $0x40, s15  }
0x3aa: {  	[tilespmem:s31+$0xFFFFFFE0] =	vst v0  }
0x3ab: {  	v0 =	vld [tilespmem:$0x1D20];
	_ =	sdelay $0x1  }
0x3ac: {  	v32 =	vld [tilespmem:$0x1D30];
	_ =	sdelay $0x1  }
0x3ad: {  	v33 =	vld [tilespmem:$0x1D40]  }
0x3ae: {  	v0 =	vadd.f32 $0.0e+00, v0  }
0x3af: {  	v34 =	vld [tilespmem:$0x1D50]  }
0x3b0: {  	v0 =	vadd.f32 v32, v0  }
0x3b1: {  	v35 =	vld [tilespmem:$0x1D60]  }
0x3b2: {  	v0 =	vadd.f32 v33, v0  }
0x3b3: {  	v36 =	vld [tilespmem:$0x1D70]  }
0x3b4: {  	v0 =	vadd.f32 v34, v0  }
0x3b5: {  	v37 =	vld [tilespmem:$0x1D80]  }
0x3b6: {  	v0 =	vadd.f32 v35, v0  }
0x3b7: {  	v38 =	vld [tilespmem:$0x1D90]  }
0x3b8: {  	v0 =	vadd.f32 v36, v0  }
0x3b9: {  	v39 =	vld [tilespmem:$0x1DA0]  }
0x3ba: {  	v0 =	vadd.f32 v37, v0  }
0x3bb: {  	v40 =	vld [tilespmem:$0x1DB0]  }
0x3bc: {  	v0 =	vadd.f32 v38, v0  }
0x3bd: {  	v41 =	vld [tilespmem:$0x1DC0]  }
0x3be: {  	v0 =	vadd.f32 v39, v0  }
0x3bf: {  	v42 =	vld [tilespmem:$0x1DD0]  }
0x3c0: {  	v0 =	vadd.f32 v40, v0  }
0x3c1: {  	v43 =	vld [tilespmem:$0x1DE0]  }
0x3c2: {  	v0 =	vadd.f32 v41, v0  }
0x3c3: {  	v44 =	vld [tilespmem:$0x1DF0]  }
0x3c4: {  	v0 =	vadd.f32 v42, v0  }
0x3c5: {  	v45 =	vld [tilespmem:$0x1E00]  }
0x3c6: {  	v0 =	vadd.f32 v43, v0  }
0x3c7: {  	v46 =	vld [tilespmem:$0x1E10]  }
0x3c8: {  	v0 =	vadd.f32 v44, v0  }
0x3c9: {  	v47 =	vld [tilespmem:$0x1E20]  }
0x3ca: {  	v0 =	vadd.f32 v45, v0  }
0x3cb: {  	v48 =	vld [tilespmem:$0x1E30]  }
0x3cc: {  	v0 =	vadd.f32 v46, v0  }
0x3cd: {  	v49 =	vld [tilespmem:$0x1E40]  }
0x3ce: {  	v0 =	vadd.f32 v47, v0  }
0x3cf: {  	v50 =	vld [tilespmem:$0x1E50]  }
0x3d0: {  	v0 =	vadd.f32 v48, v0  }
0x3d1: {  	v51 =	vld [tilespmem:$0x1E60]  }
0x3d2: {  	v0 =	vadd.f32 v49, v0  }
0x3d3: {  	v52 =	vld [tilespmem:$0x1E70]  }
0x3d4: {  	v0 =	vadd.f32 v50, v0  }
0x3d5: {  	v53 =	vld [tilespmem:$0x1E80]  }
0x3d6: {  	v0 =	vadd.f32 v51, v0  }
0x3d7: {  	v54 =	vld [tilespmem:$0x1E90]  }
0x3d8: {  	v0 =	vadd.f32 v52, v0  }
0x3d9: {  	v55 =	vld [tilespmem:$0x1EA0]  }
0x3da: {  	v0 =	vadd.f32 v53, v0  }
0x3db: {  	v56 =	vld [tilespmem:$0x1EB0]  }
0x3dc: {  	v0 =	vadd.f32 v54, v0  }
0x3dd: {  	v57 =	vld [tilespmem:$0x1EC0]  }
0x3de: {  	v0 =	vadd.f32 v55, v0  }
0x3df: {  	v58 =	vld [tilespmem:$0x1ED0]  }
0x3e0: {  	v0 =	vadd.f32 v56, v0  }
0x3e1: {  	v59 =	vld [tilespmem:$0x1EE0]  }
0x3e2: {  	v0 =	vadd.f32 v57, v0  }
0x3e3: {  	v60 =	vld [tilespmem:$0x1EF0]  }
0x3e4: {  	v0 =	vadd.f32 v58, v0  }
0x3e5: {  	v61 =	vld [tilespmem:$0x1F00]  }
0x3e6: {  	v0 =	vadd.f32 v59, v0  }
0x3e7: {  	v62 =	vld [tilespmem:$0x1F10]  }
0x3e8: {  	v0 =	vadd.f32 v60, v0  }
0x3e9: {  	v63 =	vld [tilespmem:$0x1F20]  }
0x3ea: {  	v0 =	vadd.f32 v61, v0  }
0x3eb: {  	v6 =	vld [tilespmem:$0x1F30]  }
0x3ec: {  	v0 =	vadd.f32 v62, v0  }
0x3ed: {  	v7 =	vld [tilespmem:$0x1F40]  }
0x3ee: {  	v0 =	vadd.f32 v63, v0  }
0x3ef: {  	v8 =	vld [tilespmem:$0x1F50]  }
0x3f0: {  	v0 =	vadd.f32 v6, v0  }
0x3f1: {  	v9 =	vld [tilespmem:$0x1F60]  }
0x3f2: {  	v0 =	vadd.f32 v7, v0  }
0x3f3: {  	v10 =	vld [tilespmem:$0x1F70]  }
0x3f4: {  	v0 =	vadd.f32 v8, v0  }
0x3f5: {  	v11 =	vld [tilespmem:$0x1F80]  }
0x3f6: {  	v0 =	vadd.f32 v9, v0  }
0x3f7: {  	v12 =	vld [tilespmem:$0x1F90]  }
0x3f8: {  	v0 =	vadd.f32 v10, v0  }
0x3f9: {  	v13 =	vld [tilespmem:$0x1FA0]  }
0x3fa: {  	v0 =	vadd.f32 v11, v0  }
0x3fb: {  	v14 =	vld [tilespmem:$0x1FB0]  }
0x3fc: {  	v0 =	vadd.f32 v12, v0  }
0x3fd: {  	v15 =	vld [tilespmem:$0x1FC0]  }
0x3fe: {  	v0 =	vadd.f32 v13, v0  }
0x3ff: {  	v16 =	vld [tilespmem:$0x1FD0]  }
0x400: {  	v0 =	vadd.f32 v14, v0  }
0x401: {  	v17 =	vld [tilespmem:$0x1FE0]  }
0x402: {  	v0 =	vadd.f32 v15, v0  }
0x403: {  	v18 =	vld [tilespmem:$0x1FF0]  }
0x404: {  	v0 =	vadd.f32 v16, v0  }
0x405: {  	v19 =	vld [tilespmem:$0x2000]  }
0x406: {  	v0 =	vadd.f32 v17, v0  }
0x407: {  	v20 =	vld [tilespmem:$0x2010]  }
0x408: {  	v0 =	vadd.f32 v18, v0  }
0x409: {  	v21 =	vld [tilespmem:$0x2020]  }
0x40a: {  	v0 =	vadd.f32 v19, v0  }
0x40b: {  	v22 =	vld [tilespmem:$0x2030]  }
0x40c: {  	v0 =	vadd.f32 v20, v0;
	_ =	sdelay $0x1  }
0x40d: {  	v0 =	vadd.f32 v21, v0;
	_ =	sdelay $0x1  }
0x40e: {  	v0 =	vadd.f32 v22, v0;
	_ =	sdelay $0x1  }
0x40f: {  	p0 =	seq.s32 s16, $0xFFFFFCC0;
	v0 =	vmul.f32 $1.999999960e-02, v0  }
0x410: {  	s16 =	sshra.s32 @!p0 s16, $0x2  }
0x411: {  	s17 =	simm.s32 @!p0 $0x64;
	s18 =	simm.s32 @!p0 $0x1A00;
	s16 =	sadd.s32 @!p0 $0x1AD0, s16;
	[tilespmem:s31+$0xFFFFFFF0] =	vst v0  }
0x412: {  	[tilespmem:s18], [sflag:$0x1] =	stream.indirect.gather @!p0 [hbm4b:s3+s17], $0x10, s16, s17, $0xb8;
	[tilespmem:$0x2E80] =	vst v63  }
0x413: {  	_ =	swait.ge [sflag:s12], $0x640  }
0x414: {  	[sflag:s12] =	ssyncset.done $0x0  }
0x415: {  	[sflag:s12] =	ssyncadd.s32 $0xFFFFF9C0  }
0x416: {  	v23 =	vld [tilespmem:$0x2040];
	_ =	sdelay $0x1  }
0x417: {  	v24 =	vld [tilespmem:$0x2050];
	_ =	sdelay $0x1  }
0x418: {  	v25 =	vld [tilespmem:$0x2060]  }
0x419: {  	v0 =	vadd.f32 $0.0e+00, v23  }
0x41a: {  	v26 =	vld [tilespmem:$0x2070]  }
0x41b: {  	v0 =	vadd.f32 v24, v0  }
0x41c: {  	v27 =	vld [tilespmem:$0x2080]  }
0x41d: {  	v0 =	vadd.f32 v25, v0  }
0x41e: {  	v28 =	vld [tilespmem:$0x2090]  }
0x41f: {  	v0 =	vadd.f32 v26, v0  }
0x420: {  	v29 =	vld [tilespmem:$0x20A0]  }
0x421: {  	v0 =	vadd.f32 v27, v0  }
0x422: {  	v30 =	vld [tilespmem:$0x20B0]  }
0x423: {  	v0 =	vadd.f32 v28, v0  }
0x424: {  	v31 =	vld [tilespmem:$0x20C0]  }
0x425: {  	v0 =	vadd.f32 v29, v0  }
0x426: {  	v32 =	vld [tilespmem:$0x20D0]  }
0x427: {  	v0 =	vadd.f32 v30, v0  }
0x428: {  	v33 =	vld [tilespmem:$0x20E0]  }
0x429: {  	v0 =	vadd.f32 v31, v0  }
0x42a: {  	v34 =	vld [tilespmem:$0x20F0]  }
0x42b: {  	v0 =	vadd.f32 v32, v0  }
0x42c: {  	v35 =	vld [tilespmem:$0x2100]  }
0x42d: {  	v0 =	vadd.f32 v33, v0  }
0x42e: {  	v36 =	vld [tilespmem:$0x2110]  }
0x42f: {  	v0 =	vadd.f32 v34, v0  }
0x430: {  	v37 =	vld [tilespmem:$0x2120]  }
0x431: {  	v0 =	vadd.f32 v35, v0  }
0x432: {  	v38 =	vld [tilespmem:$0x2130]  }
0x433: {  	v0 =	vadd.f32 v36, v0  }
0x434: {  	v39 =	vld [tilespmem:$0x2140]  }
0x435: {  	v0 =	vadd.f32 v37, v0  }
0x436: {  	v40 =	vld [tilespmem:$0x2150]  }
0x437: {  	v0 =	vadd.f32 v38, v0  }
0x438: {  	v41 =	vld [tilespmem:$0x2160]  }
0x439: {  	v0 =	vadd.f32 v39, v0  }
0x43a: {  	v42 =	vld [tilespmem:$0x2170]  }
0x43b: {  	v0 =	vadd.f32 v40, v0  }
0x43c: {  	v43 =	vld [tilespmem:$0x2180]  }
0x43d: {  	v0 =	vadd.f32 v41, v0  }
0x43e: {  	v44 =	vld [tilespmem:$0x2190]  }
0x43f: {  	v0 =	vadd.f32 v42, v0  }
0x440: {  	v45 =	vld [tilespmem:$0x21A0]  }
0x441: {  	v0 =	vadd.f32 v43, v0  }
0x442: {  	v46 =	vld [tilespmem:$0x21B0]  }
0x443: {  	v0 =	vadd.f32 v44, v0  }
0x444: {  	v47 =	vld [tilespmem:$0x21C0]  }
0x445: {  	v0 =	vadd.f32 v45, v0  }
0x446: {  	v48 =	vld [tilespmem:$0x21D0]  }
0x447: {  	v0 =	vadd.f32 v46, v0  }
0x448: {  	v49 =	vld [tilespmem:$0x21E0]  }
0x449: {  	v0 =	vadd.f32 v47, v0  }
0x44a: {  	v50 =	vld [tilespmem:$0x21F0]  }
0x44b: {  	v0 =	vadd.f32 v48, v0  }
0x44c: {  	v51 =	vld [tilespmem:$0x2200]  }
0x44d: {  	v0 =	vadd.f32 v49, v0  }
0x44e: {  	v52 =	vld [tilespmem:$0x2210]  }
0x44f: {  	v0 =	vadd.f32 v50, v0  }
0x450: {  	v53 =	vld [tilespmem:$0x2220]  }
0x451: {  	v0 =	vadd.f32 v51, v0  }
0x452: {  	v54 =	vld [tilespmem:$0x2230]  }
0x453: {  	v0 =	vadd.f32 v52, v0  }
0x454: {  	v55 =	vld [tilespmem:$0x2240]  }
0x455: {  	v0 =	vadd.f32 v53, v0  }
0x456: {  	v56 =	vld [tilespmem:$0x2250]  }
0x457: {  	v0 =	vadd.f32 v54, v0  }
0x458: {  	v57 =	vld [tilespmem:$0x2260]  }
0x459: {  	v0 =	vadd.f32 v55, v0  }
0x45a: {  	v58 =	vld [tilespmem:$0x2270]  }
0x45b: {  	v0 =	vadd.f32 v56, v0  }
0x45c: {  	v59 =	vld [tilespmem:$0x2280]  }
0x45d: {  	v0 =	vadd.f32 v57, v0  }
0x45e: {  	v60 =	vld [tilespmem:$0x2290]  }
0x45f: {  	v0 =	vadd.f32 v58, v0  }
0x460: {  	v61 =	vld [tilespmem:$0x22A0]  }
0x461: {  	v0 =	vadd.f32 v59, v0  }
0x462: {  	v62 =	vld [tilespmem:$0x22B0]  }
0x463: {  	v0 =	vadd.f32 v60, v0  }
0x464: {  	v63 =	vld [tilespmem:$0x22C0]  }
0x465: {  	v0 =	vadd.f32 v61, v0  }
0x466: {  	v6 =	vld [tilespmem:$0x22D0]  }
0x467: {  	v0 =	vadd.f32 v62, v0  }
0x468: {  	v7 =	vld [tilespmem:$0x22E0]  }
0x469: {  	v0 =	vadd.f32 v63, v0  }
0x46a: {  	v8 =	vld [tilespmem:$0x22F0]  }
0x46b: {  	v0 =	vadd.f32 v6, v0  }
0x46c: {  	v9 =	vld [tilespmem:$0x2300]  }
0x46d: {  	v0 =	vadd.f32 v7, v0  }
0x46e: {  	v10 =	vld [tilespmem:$0x2310]  }
0x46f: {  	v0 =	vadd.f32 v8, v0  }
0x470: {  	v11 =	vld [tilespmem:$0x2320]  }
0x471: {  	v0 =	vadd.f32 v9, v0  }
0x472: {  	v12 =	vld [tilespmem:$0x2330]  }
0x473: {  	v0 =	vadd.f32 v10, v0  }
0x474: {  	v13 =	vld [tilespmem:$0x2340]  }
0x475: {  	v0 =	vadd.f32 v11, v0  }
0x476: {  	v14 =	vld [tilespmem:$0x2350]  }
0x477: {  	v0 =	vadd.f32 v12, v0;
	_ =	sdelay $0x1  }
0x478: {  	v0 =	vadd.f32 v13, v0;
	_ =	sdelay $0x1  }
0x479: {  	v0 =	vadd.f32 v14, v0;
	_ =	sdelay $0x1  }
0x47a: {  	v0 =	vmul.f32 $1.999999960e-02, v0;
	_ =	sdelay $0x1  }
0x47b: {  	[tilespmem:s31+$0x0] =	vst v0  }
0x47c: {  	v0 =	vld [tilespmem:$0x2360];
	_ =	sdelay $0x1  }
0x47d: {  	v15 =	vld [tilespmem:$0x2370];
	_ =	sdelay $0x1  }
0x47e: {  	v16 =	vld [tilespmem:$0x2380]  }
0x47f: {  	v0 =	vadd.f32 $0.0e+00, v0  }
0x480: {  	v17 =	vld [tilespmem:$0x2390]  }
0x481: {  	v0 =	vadd.f32 v15, v0  }
0x482: {  	v18 =	vld [tilespmem:$0x23A0]  }
0x483: {  	v0 =	vadd.f32 v16, v0  }
0x484: {  	v19 =	vld [tilespmem:$0x23B0]  }
0x485: {  	v0 =	vadd.f32 v17, v0  }
0x486: {  	v20 =	vld [tilespmem:$0x23C0]  }
0x487: {  	v0 =	vadd.f32 v18, v0  }
0x488: {  	v21 =	vld [tilespmem:$0x23D0]  }
0x489: {  	v0 =	vadd.f32 v19, v0  }
0x48a: {  	v22 =	vld [tilespmem:$0x23E0]  }
0x48b: {  	v0 =	vadd.f32 v20, v0  }
0x48c: {  	v23 =	vld [tilespmem:$0x23F0]  }
0x48d: {  	v0 =	vadd.f32 v21, v0  }
0x48e: {  	v24 =	vld [tilespmem:$0x2400]  }
0x48f: {  	v0 =	vadd.f32 v22, v0  }
0x490: {  	v25 =	vld [tilespmem:$0x2410]  }
0x491: {  	v0 =	vadd.f32 v23, v0  }
0x492: {  	v26 =	vld [tilespmem:$0x2420]  }
0x493: {  	v0 =	vadd.f32 v24, v0  }
0x494: {  	v27 =	vld [tilespmem:$0x2430]  }
0x495: {  	v0 =	vadd.f32 v25, v0  }
0x496: {  	v28 =	vld [tilespmem:$0x2440]  }
0x497: {  	v0 =	vadd.f32 v26, v0  }
0x498: {  	v29 =	vld [tilespmem:$0x2450]  }
0x499: {  	v0 =	vadd.f32 v27, v0  }
0x49a: {  	v30 =	vld [tilespmem:$0x2460]  }
0x49b: {  	v0 =	vadd.f32 v28, v0  }
0x49c: {  	v31 =	vld [tilespmem:$0x2470]  }
0x49d: {  	v0 =	vadd.f32 v29, v0  }
0x49e: {  	v32 =	vld [tilespmem:$0x2480]  }
0x49f: {  	v0 =	vadd.f32 v30, v0  }
0x4a0: {  	v33 =	vld [tilespmem:$0x2490]  }
0x4a1: {  	v0 =	vadd.f32 v31, v0  }
0x4a2: {  	v34 =	vld [tilespmem:$0x24A0]  }
0x4a3: {  	v0 =	vadd.f32 v32, v0  }
0x4a4: {  	v35 =	vld [tilespmem:$0x24B0]  }
0x4a5: {  	v0 =	vadd.f32 v33, v0  }
0x4a6: {  	v36 =	vld [tilespmem:$0x24C0]  }
0x4a7: {  	v0 =	vadd.f32 v34, v0  }
0x4a8: {  	v37 =	vld [tilespmem:$0x24D0]  }
0x4a9: {  	v0 =	vadd.f32 v35, v0  }
0x4aa: {  	v38 =	vld [tilespmem:$0x24E0]  }
0x4ab: {  	v0 =	vadd.f32 v36, v0  }
0x4ac: {  	v39 =	vld [tilespmem:$0x24F0]  }
0x4ad: {  	v0 =	vadd.f32 v37, v0  }
0x4ae: {  	v40 =	vld [tilespmem:$0x2500]  }
0x4af: {  	v0 =	vadd.f32 v38, v0  }
0x4b0: {  	v41 =	vld [tilespmem:$0x2510]  }
0x4b1: {  	v0 =	vadd.f32 v39, v0  }
0x4b2: {  	v42 =	vld [tilespmem:$0x2520]  }
0x4b3: {  	v0 =	vadd.f32 v40, v0  }
0x4b4: {  	v43 =	vld [tilespmem:$0x2530]  }
0x4b5: {  	v0 =	vadd.f32 v41, v0  }
0x4b6: {  	v44 =	vld [tilespmem:$0x2540]  }
0x4b7: {  	v0 =	vadd.f32 v42, v0  }
0x4b8: {  	v45 =	vld [tilespmem:$0x2550]  }
0x4b9: {  	v0 =	vadd.f32 v43, v0  }
0x4ba: {  	v46 =	vld [tilespmem:$0x2560]  }
0x4bb: {  	v0 =	vadd.f32 v44, v0  }
0x4bc: {  	v47 =	vld [tilespmem:$0x2570]  }
0x4bd: {  	v0 =	vadd.f32 v45, v0  }
0x4be: {  	v48 =	vld [tilespmem:$0x2580]  }
0x4bf: {  	v0 =	vadd.f32 v46, v0  }
0x4c0: {  	v49 =	vld [tilespmem:$0x2590]  }
0x4c1: {  	v0 =	vadd.f32 v47, v0  }
0x4c2: {  	v50 =	vld [tilespmem:$0x25A0]  }
0x4c3: {  	v0 =	vadd.f32 v48, v0  }
0x4c4: {  	v51 =	vld [tilespmem:$0x25B0]  }
0x4c5: {  	v0 =	vadd.f32 v49, v0  }
0x4c6: {  	v52 =	vld [tilespmem:$0x25C0]  }
0x4c7: {  	v0 =	vadd.f32 v50, v0  }
0x4c8: {  	v53 =	vld [tilespmem:$0x25D0]  }
0x4c9: {  	v0 =	vadd.f32 v51, v0  }
0x4ca: {  	v54 =	vld [tilespmem:$0x25E0]  }
0x4cb: {  	v0 =	vadd.f32 v52, v0  }
0x4cc: {  	v55 =	vld [tilespmem:$0x25F0]  }
0x4cd: {  	v0 =	vadd.f32 v53, v0  }
0x4ce: {  	v56 =	vld [tilespmem:$0x2600]  }
0x4cf: {  	v0 =	vadd.f32 v54, v0  }
0x4d0: {  	v57 =	vld [tilespmem:$0x2610]  }
0x4d1: {  	v0 =	vadd.f32 v55, v0  }
0x4d2: {  	v58 =	vld [tilespmem:$0x2620]  }
0x4d3: {  	v0 =	vadd.f32 v56, v0  }
0x4d4: {  	v59 =	vld [tilespmem:$0x2630]  }
0x4d5: {  	v0 =	vadd.f32 v57, v0  }
0x4d6: {  	v60 =	vld [tilespmem:$0x2640]  }
0x4d7: {  	v0 =	vadd.f32 v58, v0  }
0x4d8: {  	v61 =	vld [tilespmem:$0x2650]  }
0x4d9: {  	v0 =	vadd.f32 v59, v0  }
0x4da: {  	v62 =	vld [tilespmem:$0x2660]  }
0x4db: {  	v0 =	vadd.f32 v60, v0  }
0x4dc: {  	v63 =	vld [tilespmem:$0x2670]  }
0x4dd: {  	v0 =	vadd.f32 v61, v0;
	_ =	sdelay $0x1  }
0x4de: {  	v0 =	vadd.f32 v62, v0;
	_ =	sdelay $0x1  }
0x4df: {  	v0 =	vadd.f32 v63, v0;
	_ =	sdelay $0x1  }
0x4e0: {  	s14 =	sadd.s32 $0x1, s14;
	v0 =	vmul.f32 $1.999999960e-02, v0  }
0x4e1: {  	p0 =	sne.s32 s14, s6  }
.Ltmp1:
0x4e2: {  	[tilespmem:s31+$0x10] =	vst v0;
	(pc) =	sbr.rel @p0 .LBB2_1-.Ltmp1, $4  }
0x4e3: {  	[hbm4b:s5+s2] =	stream.linear.scatter [tilespmem:s13], [sflag:$0x3], $0x800, $0x38;
	[tilespmem:$0x2E80] =	vst v63  }
0x4e4: {  	_ =	swait.ge [sflag:s7], $0x800  }
0x4e5: {  	[sflag:s7] =	ssyncset.done $0x0  }
0x4e6: {  	[sflag:s7] =	ssyncadd.s32 $0xFFFFF800  }
0x4e7: {  	_ =	sfence.sel $0x180000  }
0x4e8: {  	[bflag:$0x0] =	sbarrier.arrive $0xFFFF  }
0x4e9: {  	p0 =	sne.s32 s0, $0x0;
	_ =	strace $0x90000047  }
0x4ea: {  	s0 =	sadd.s32 @!p0 $0x100000, s1;
	[bflag:$0x2] =	sbarrier.arrive $0xFFFF  }
0x4eb: {  	[sflag:s0] =	ssyncadd.tile.s32 @!p0 $0x1;
	_ =	shalt  }
.Lfunc_end2:
_tile_overlayer_lowered:
.L_overlay_start_2:
0x4ec: {  	(tag) =	ssettag $0x2  }
0x4ed: {  	s0 =	rddreg [dreg:$0x0];
	s2 =	stileid.u32  }
0x4ee: {  	s1 =	rddreg [dreg:$0x1];
	p0 =	sne.s32 s2, $0x0  }
0x4ef: {  	s3 =	rddreg [dreg:$0x2];
	[bflag:$0x3] =	sbarrier.arrive $0xFFFF;
	s2 =	simm.s32 @!p0 $0x1C03  }
0x4f0: {  	[timem:s3], [sflag:s2] =	dma.local @!p0 [hbm:s0], s1  }
0x4f1: {  	s0 =	simm.s32 @!p0 $0x3  }
0x4f2: {  	_ =	swait.ge @!p0 [sflag:s0], s1  }
0x4f3: {  	s1 =	ssub.s32 @!p0 $0x0, s1;
	[sflag:s0] =	ssyncset.done @!p0 $0x0  }
0x4f4: {  	[sflag:s0] =	ssyncadd.s32 @!p0 s1  }
0x4f5: {  	[bflag:$0x3] =	sbarrier.arrive $0xFFFF  }
0x4f6: {  	_ =	shalt  }

</sc_bundles>
